<compile_context>
chip_gen: v7x
topology: tpu7x:2x2x1
jax: 0.10.2.dev20260603
libtpu: 0.0.44.dev20260713+nightly
codegen_flags: <defaults>
</compile_context>

<pallas_src>
import functools

import jax
import jax.numpy as jnp
from jax import lax
from jax.experimental import pallas as pl
from jax.experimental.pallas import tpu as pltpu
from jax.experimental.pallas import tpu_sc as plsc

N = 100000
E = 3200000
L = 16
NC = 2
NS = 16
NW = NC * NS
EPW = E // NW
GROUPS = EPW // L
BIG = 2**30


def _sc_partial_sums(dst, src, x0, x1, x2, i1_arr, i2_arr):
    mesh = plsc.VectorSubcoreMesh(core_axis_name="c", subcore_axis_name="s")

    @functools.partial(
        pl.kernel,
        out_type=jax.ShapeDtypeStruct((NW, 8, L), jnp.float32),
        mesh=mesh,
        scratch_types=[
            pltpu.VMEM((EPW,), jnp.int32),
            pltpu.VMEM((L,), jnp.int32),
            pltpu.VMEM((L,), jnp.int32),
            pltpu.VMEM((L,), jnp.int32),
            pltpu.VMEM((L,), jnp.int32),
            pltpu.VMEM((3, L), jnp.float32),
            pltpu.VMEM((8, L), jnp.float32),
            pltpu.SemaphoreType.DMA,
        ],
    )
    def kern(dst_hbm, src_hbm, x0_hbm, x1_hbm, x2_hbm, i1_hbm, i2_hbm,
             out_hbm, dstv, i1v_ref, i2v_ref, sbuf, dbuf, gbuf, outv, gsem):
        wid = lax.axis_index("s") * NC + lax.axis_index("c")
        base = wid * EPW
        pltpu.sync_copy(i1_hbm, i1v_ref)
        pltpu.sync_copy(i2_hbm, i2v_ref)
        pltpu.sync_copy(dst_hbm.at[pl.ds(base, EPW)], dstv)
        i1v = i1v_ref[...]
        i2v = i2v_ref[...]
        zf = jnp.zeros((L,), jnp.float32)
        zi = jnp.zeros((L,), jnp.int32)
        onei = jnp.full((L,), 1, jnp.int32)
        bigv = jnp.full((L,), jnp.int32(BIG), jnp.int32)
        lane = lax.iota(jnp.int32, L)

        def scan(w):
            wv = jnp.full((L,), w, jnp.int32)

            def body(g, c):
                gidx, cnt = c
                d = dstv[pl.ds(g * L, L)]
                t = jnp.minimum(d ^ i1v, d ^ i2v)
                hitv = t == 0
                cap = jnp.where(cnt == wv, jnp.full((L,), g, jnp.int32), gidx)
                gidx = jnp.where(hitv, cap, gidx)
                cnt = cnt + jnp.where(hitv, onei, zi)
                return gidx, cnt

            return lax.fori_loop(0, GROUPS, body,
                                 (jnp.full((L,), -1, jnp.int32), zi),
                                 unroll=8)

        def vmin16(v):
            r = v[0]
            for i in range(1, L):
                r = jnp.minimum(r, v[i])
            return r

        def vmax16(v):
            r = v[0]
            for i in range(1, L):
                r = jnp.maximum(r, v[i])
            return r

        def wave(gidx, m):
            eidx = jnp.where(m, gidx * L + lane, zi)
            cs = pltpu.async_copy(
                src_hbm.at[jnp.where(m, eidx + base, zi)], sbuf, gsem)
            cd = pltpu.async_copy(
                dst_hbm.at[jnp.where(m, eidx + base, zi)], dbuf, gsem)
            cs.wait()
            cd.wait()
            dval = jnp.where(m, dbuf[...], jnp.full((L,), -1, jnp.int32))
            xi = jnp.where(m, sbuf[...], zi)
            c0 = pltpu.async_copy(x0_hbm.at[xi], gbuf.at[0], gsem)
            c1 = pltpu.async_copy(x1_hbm.at[xi], gbuf.at[1], gsem)
            c2 = pltpu.async_copy(x2_hbm.at[xi], gbuf.at[2], gsem)
            c0.wait()
            c1.wait()
            c2.wait()
            m1 = dval == i1v
            m2 = dval == i2v
            for d in range(3):
                outv[d, :] = outv[d, :] + jnp.where(m1, gbuf[d, :], zf)
                outv[3 + d, :] = outv[3 + d, :] + jnp.where(m2, gbuf[d, :], zf)

        for r in range(8):
            outv[r, :] = zf
        gidx, cnt = scan(0)
        mx = vmax16(cnt)

        @pl.when(mx > 0)
        def _():
            wave(gidx, cnt > 0)

        @pl.loop(1, mx)
        def _(w):
            gidx2, cnt2 = scan(w)
            wave(gidx2, cnt2 > w)
        pltpu.sync_copy(outv, out_hbm.at[wid])

    return kern(dst, src, x0, x1, x2, i1_arr, i2_arr)


def kernel(x, edge_index, first_index, second_index,
           W, M, U, V, fc1_w, fc1_b, fc2_w, fc2_b):
    src = edge_index[0]
    dst = edge_index[1]
    i1 = jnp.asarray(first_index, jnp.int32)
    i2 = jnp.asarray(second_index, jnp.int32)
    x0 = x[:, 0]
    x1 = x[:, 1]
    x2 = x[:, 2]
    i1_arr = jnp.full((L,), i1, jnp.int32)
    i2_arr = jnp.full((L,), i2, jnp.int32)

    parts = _sc_partial_sums(dst, src, x0, x1, x2, i1_arr, i2_arr)
    s1 = jnp.sum(parts[:, 0:3, :], axis=(0, 2))
    s2 = jnp.sum(parts[:, 3:6, :], axis=(0, 2))

    xr1 = x[i1]
    xr2 = x[i2]
    h1 = jax.nn.relu(xr1 @ U + s1 @ V)
    h2 = jax.nn.relu(xr2 @ U + s2 @ V)
    g1 = jax.nn.softmax(h1[None, :], axis=-1)
    g2 = jax.nn.softmax(h2[None, :], axis=-1)
    third = jnp.concatenate([g1 * g2, g1 + g2], axis=1)
    v = jax.nn.relu(third @ fc1_w.T + fc1_b)
    out = jax.nn.relu(v @ fc2_w.T + fc2_b)
    return out

# --- scband reference (transcript-rebuilt; emitter-appended) ---
"""Pipeline reference for scband-dcnnv2-63917703299186 (READ-ONLY COPY).

The authoritative reference and input builder live on the scoring server;
editing this copy changes nothing except your own understanding.
"""

import jax, jax.numpy as jnp
import numpy as np

N = 100000
E = 3200000
D = 3


def setup_inputs(seed: int = 0) -> dict:
    key = jax.random.key(seed)
    ks = jax.random.split(key, 12)
    x = jax.random.normal(ks[0], (N, D), dtype=jnp.float32)
    edge_index = jax.random.randint(ks[1], (2, E), 0, N, dtype=jnp.int32)
    first_index = 123
    second_index = 45678
    # learned parameters (sized per module __init__: node_representation_size = 3)
    W = jax.random.normal(ks[2], (D, D), dtype=jnp.float32)
    M = jax.random.normal(ks[3], (D, D), dtype=jnp.float32)
    U = jax.random.normal(ks[4], (D, D), dtype=jnp.float32)
    V = jax.random.normal(ks[5], (D, D), dtype=jnp.float32)
    fc1_w = jax.random.normal(ks[6], (D, 2 * D), dtype=jnp.float32) * 0.1
    fc1_b = jnp.zeros((D,), dtype=jnp.float32)
    fc2_w = jax.random.normal(ks[7], (1, D), dtype=jnp.float32) * 0.1
    fc2_b = jnp.zeros((1,), dtype=jnp.float32)
    return {
        "x": x, "edge_index": edge_index,
        "first_index": first_index, "second_index": second_index,
        "W": W, "M": M, "U": U, "V": V,
        "fc1_w": fc1_w, "fc1_b": fc1_b, "fc2_w": fc2_w, "fc2_b": fc2_b,
    }


def _internal_encode(x, edge_index, W, M):
    # InternalGraphConvolutionLayer: h_v = relu(x_v @ W + sum_{u in N(v)} x_u @ M)
    src = edge_index[0]
    dst = edge_index[1]
    msg = jnp.take(x, src, axis=0) @ M          # gather neighbor reps, project by M
    agg = jax.ops.segment_sum(msg, dst, num_segments=x.shape[0])  # scatter-add
    h = jax.nn.relu(x @ W + agg)
    pooled = jnp.sum(h, axis=0, keepdims=True)  # sum over all nodes -> [1, 3]
    return jax.nn.softmax(pooled, axis=-1)


def _external_encode(x, edge_index, idx, U, V):
    # ExternalGraphConvolutionLayer: rep_v = relu(rep_v @ U + sum_{u in N(v)} rep_u @ V)
    # NOTE: original forward receives initial_embedding but never uses it.
    src = edge_index[0]
    dst = edge_index[1]
    msg = jnp.take(x, src, axis=0) @ V
    agg = jax.ops.segment_sum(msg, dst, num_segments=x.shape[0])
    h = jax.nn.relu(x @ U + agg)
    # original returns softmax of the representation of a node tied to `index`
    return jax.nn.softmax(h[idx][None, :], axis=-1)


def reference(x, edge_index, first_index, second_index, W, M, U, V, fc1_w, fc1_b, fc2_w, fc2_b):
    # internal encodings (computed as in original; external layer ignores them)
    e1 = _internal_encode(x, edge_index, W, M)
    e2 = _internal_encode(x, edge_index, W, M)
    g1 = _external_encode(x, edge_index, first_index, U, V)
    g2 = _external_encode(x, edge_index, second_index, U, V)
    third = jnp.concatenate([g1 * g2, g1 + g2], axis=1)  # [1, 6]
    v = jax.nn.relu(third @ fc1_w.T + fc1_b)
    out = jax.nn.relu(v @ fc2_w.T + fc2_b)               # [1, 1]
    return out

if __name__ == "__main__":
    import jax
    _d = setup_inputs()
    print(jax.jit(kernel)(*tuple(_d.values())))

</pallas_src>

<mosaic_0001>
#map = affine_map<(d0, d1) -> (0)>
#map1 = affine_map<(d0, d1) -> (0, 0, 0)>
module attributes {stable_mosaic.version = 14 : i64} {
  func.func @kern(%arg0: i32, %arg1: i32, %arg2: memref<3200000xi32, #tpu.memory_space<hbm>>, %arg3: memref<3200000xi32, #tpu.memory_space<hbm>>, %arg4: memref<100000xf32, #tpu.memory_space<hbm>>, %arg5: memref<100000xf32, #tpu.memory_space<hbm>>, %arg6: memref<100000xf32, #tpu.memory_space<hbm>>, %arg7: memref<16xi32, #tpu.memory_space<hbm>>, %arg8: memref<16xi32, #tpu.memory_space<hbm>>, %arg9: memref<32x8x16xf32, #tpu.memory_space<hbm>>, %arg10: memref<100000xi32, #tpu.memory_space<vmem>>, %arg11: memref<16xi32, #tpu.memory_space<vmem>>, %arg12: memref<16xi32, #tpu.memory_space<vmem>>, %arg13: memref<16xi32, #tpu.memory_space<vmem>>, %arg14: memref<16xi32, #tpu.memory_space<vmem>>, %arg15: memref<3x16xf32, #tpu.memory_space<vmem>>, %arg16: memref<8x16xf32, #tpu.memory_space<vmem>>, %arg17: memref<!tpu.dma_semaphore, #tpu.memory_space<semaphore_mem>>) attributes {dimension_semantics = [#tpu.dimension_semantics<core_parallel>, #tpu.dimension_semantics<subcore_parallel>], iteration_bounds = array<i64: 2, 16>, scalar_prefetch = 0 : i64, scratch_operands = 8 : i64, tpu.core_type = #tpu.core_type<sc_vector_subcore>, window_params = [{transform_indices = #map}, {transform_indices = #map}, {transform_indices = #map}, {transform_indices = #map}, {transform_indices = #map}, {transform_indices = #map}, {transform_indices = #map}, {transform_indices = #map1}]} {
    %mul3A = arith.constant 2 : i32
    %mul3A_0 = arith.muli %arg1, %mul3A : i32
    %add3A = arith.addi %mul3A_0, %arg0 : i32
    %mul3A_1 = arith.constant 100000 : i32
    %mul3A_2 = arith.muli %add3A, %mul3A_1 : i32
    "tpu.region"() ({
      %run_scoped3A = tpu.sem_alloc : memref<!tpu.dma_semaphore, #tpu.memory_space<semaphore_mem>>
      tpu.enqueue_dma source(%arg7 : memref<16xi32, #tpu.memory_space<hbm>>) target(%arg11 : memref<16xi32, #tpu.memory_space<vmem>>) target_semaphore(%run_scoped3A : memref<!tpu.dma_semaphore, #tpu.memory_space<semaphore_mem>>)
      tpu.wait_dma2 semaphore(%run_scoped3A : memref<!tpu.dma_semaphore, #tpu.memory_space<semaphore_mem>>) src(%arg7 : memref<16xi32, #tpu.memory_space<hbm>>) dst(%arg11 : memref<16xi32, #tpu.memory_space<vmem>>)
      tpu.yield
    }) : () -> ()
    "tpu.region"() ({
      %run_scoped3A = tpu.sem_alloc : memref<!tpu.dma_semaphore, #tpu.memory_space<semaphore_mem>>
      tpu.enqueue_dma source(%arg8 : memref<16xi32, #tpu.memory_space<hbm>>) target(%arg12 : memref<16xi32, #tpu.memory_space<vmem>>) target_semaphore(%run_scoped3A : memref<!tpu.dma_semaphore, #tpu.memory_space<semaphore_mem>>)
      tpu.wait_dma2 semaphore(%run_scoped3A : memref<!tpu.dma_semaphore, #tpu.memory_space<semaphore_mem>>) src(%arg8 : memref<16xi32, #tpu.memory_space<hbm>>) dst(%arg12 : memref<16xi32, #tpu.memory_space<vmem>>)
      tpu.yield
    }) : () -> ()
    "tpu.region"() ({
      %run_scoped3A = tpu.sem_alloc : memref<!tpu.dma_semaphore, #tpu.memory_space<semaphore_mem>>
      %dma_start3A = tpu.memref_slice %arg2[%mul3A_2] : memref<3200000xi32, #tpu.memory_space<hbm>> -> memref<100000xi32, #tpu.memory_space<hbm>>
      %dma_start3A_167 = tpu.memref_slice %arg2[%mul3A_2] : memref<3200000xi32, #tpu.memory_space<hbm>> -> memref<100000xi32, #tpu.memory_space<hbm>>
      tpu.enqueue_dma source(%dma_start3A_167 : memref<100000xi32, #tpu.memory_space<hbm>>) target(%arg10 : memref<100000xi32, #tpu.memory_space<vmem>>) target_semaphore(%run_scoped3A : memref<!tpu.dma_semaphore, #tpu.memory_space<semaphore_mem>>)
      %dma_wait3A = tpu.memref_slice %arg2[%mul3A_2] : memref<3200000xi32, #tpu.memory_space<hbm>> -> memref<100000xi32, #tpu.memory_space<hbm>>
      %dma_wait3A_168 = tpu.memref_slice %arg2[%mul3A_2] : memref<3200000xi32, #tpu.memory_space<hbm>> -> memref<100000xi32, #tpu.memory_space<hbm>>
      tpu.wait_dma2 semaphore(%run_scoped3A : memref<!tpu.dma_semaphore, #tpu.memory_space<semaphore_mem>>) src(%dma_wait3A_168 : memref<100000xi32, #tpu.memory_space<hbm>>) dst(%arg10 : memref<100000xi32, #tpu.memory_space<vmem>>)
      tpu.yield
    }) : () -> ()
    %get3A = arith.constant 0 : index
    %get3A_3 = tpu.vector_load %arg11[%get3A] {strides = array<i32>} : memref<16xi32, #tpu.memory_space<vmem>>, vector<16xi32>,
    %get3A_4 = vector.shape_cast %get3A_3 : vector<16xi32> to vector<16xi32>
    %get3A_5 = arith.constant 0 : index
    %get3A_6 = tpu.vector_load %arg12[%get3A_5] {strides = array<i32>} : memref<16xi32, #tpu.memory_space<vmem>>, vector<16xi32>,
    %get3A_7 = vector.shape_cast %get3A_6 : vector<16xi32> to vector<16xi32>
    %broadcast_in_dim3A = arith.constant 0.000000e+00 : f32
    %broadcast_in_dim3A_8 = vector.broadcast %broadcast_in_dim3A : f32 to vector<16xf32>
    %broadcast_in_dim3A_9 = arith.constant 0 : i32
    %broadcast_in_dim3A_10 = vector.broadcast %broadcast_in_dim3A_9 : i32 to vector<16xi32>
    %broadcast_in_dim3A_11 = arith.constant 1 : i32
    %broadcast_in_dim3A_12 = vector.broadcast %broadcast_in_dim3A_11 : i32 to vector<16xi32>
    %broadcast_in_dim3A_13 = arith.constant 1073741824 : i32
    %broadcast_in_dim3A_14 = vector.broadcast %broadcast_in_dim3A_13 : i32 to vector<16xi32>
    %iota3A = tpu.iota {dimensions = array<i32: 0>} : vector<16xi32>
    %swap3A = arith.constant 0 : i32
    %swap3A_15 = arith.index_cast %swap3A : i32 to index
    %swap3A_16 = arith.constant 0 : index
    %swap3A_17 = tpu.vector_load %arg16[%swap3A_15, %swap3A_16] {strides = array<i32>} : memref<8x16xf32, #tpu.memory_space<vmem>>, vector<1x16xf32>,
    %swap3A_18 = vector.shape_cast %swap3A_17 : vector<1x16xf32> to vector<16xf32>
    %swap3A_19 = vector.shape_cast %broadcast_in_dim3A_8 : vector<16xf32> to vector<1x16xf32>
    tpu.vector_store %arg16[%swap3A_15, %swap3A_16], %swap3A_19 {strides = array<i32>} : memref<8x16xf32, #tpu.memory_space<vmem>>, vector<1x16xf32>,
    %swap3A_20 = arith.constant 1 : i32
    %swap3A_21 = arith.index_cast %swap3A_20 : i32 to index
    %swap3A_22 = arith.constant 0 : index
    %swap3A_23 = tpu.vector_load %arg16[%swap3A_21, %swap3A_22] {strides = array<i32>} : memref<8x16xf32, #tpu.memory_space<vmem>>, vector<1x16xf32>,
    %swap3A_24 = vector.shape_cast %swap3A_23 : vector<1x16xf32> to vector<16xf32>
    %swap3A_25 = vector.shape_cast %broadcast_in_dim3A_8 : vector<16xf32> to vector<1x16xf32>
    tpu.vector_store %arg16[%swap3A_21, %swap3A_22], %swap3A_25 {strides = array<i32>} : memref<8x16xf32, #tpu.memory_space<vmem>>, vector<1x16xf32>,
    %swap3A_26 = arith.constant 2 : i32
    %swap3A_27 = arith.index_cast %swap3A_26 : i32 to index
    %swap3A_28 = arith.constant 0 : index
    %swap3A_29 = tpu.vector_load %arg16[%swap3A_27, %swap3A_28] {strides = array<i32>} : memref<8x16xf32, #tpu.memory_space<vmem>>, vector<1x16xf32>,
    %swap3A_30 = vector.shape_cast %swap3A_29 : vector<1x16xf32> to vector<16xf32>
    %swap3A_31 = vector.shape_cast %broadcast_in_dim3A_8 : vector<16xf32> to vector<1x16xf32>
    tpu.vector_store %arg16[%swap3A_27, %swap3A_28], %swap3A_31 {strides = array<i32>} : memref<8x16xf32, #tpu.memory_space<vmem>>, vector<1x16xf32>,
    %swap3A_32 = arith.constant 3 : i32
    %swap3A_33 = arith.index_cast %swap3A_32 : i32 to index
    %swap3A_34 = arith.constant 0 : index
    %swap3A_35 = tpu.vector_load %arg16[%swap3A_33, %swap3A_34] {strides = array<i32>} : memref<8x16xf32, #tpu.memory_space<vmem>>, vector<1x16xf32>,
    %swap3A_36 = vector.shape_cast %swap3A_35 : vector<1x16xf32> to vector<16xf32>
    %swap3A_37 = vector.shape_cast %broadcast_in_dim3A_8 : vector<16xf32> to vector<1x16xf32>
    tpu.vector_store %arg16[%swap3A_33, %swap3A_34], %swap3A_37 {strides = array<i32>} : memref<8x16xf32, #tpu.memory_space<vmem>>, vector<1x16xf32>,
    %swap3A_38 = arith.constant 4 : i32
    %swap3A_39 = arith.index_cast %swap3A_38 : i32 to index
    %swap3A_40 = arith.constant 0 : index
    %swap3A_41 = tpu.vector_load %arg16[%swap3A_39, %swap3A_40] {strides = array<i32>} : memref<8x16xf32, #tpu.memory_space<vmem>>, vector<1x16xf32>,
    %swap3A_42 = vector.shape_cast %swap3A_41 : vector<1x16xf32> to vector<16xf32>
    %swap3A_43 = vector.shape_cast %broadcast_in_dim3A_8 : vector<16xf32> to vector<1x16xf32>
    tpu.vector_store %arg16[%swap3A_39, %swap3A_40], %swap3A_43 {strides = array<i32>} : memref<8x16xf32, #tpu.memory_space<vmem>>, vector<1x16xf32>,
    %swap3A_44 = arith.constant 5 : i32
    %swap3A_45 = arith.index_cast %swap3A_44 : i32 to index
    %swap3A_46 = arith.constant 0 : index
    %swap3A_47 = tpu.vector_load %arg16[%swap3A_45, %swap3A_46] {strides = array<i32>} : memref<8x16xf32, #tpu.memory_space<vmem>>, vector<1x16xf32>,
    %swap3A_48 = vector.shape_cast %swap3A_47 : vector<1x16xf32> to vector<16xf32>
    %swap3A_49 = vector.shape_cast %broadcast_in_dim3A_8 : vector<16xf32> to vector<1x16xf32>
    tpu.vector_store %arg16[%swap3A_45, %swap3A_46], %swap3A_49 {strides = array<i32>} : memref<8x16xf32, #tpu.memory_space<vmem>>, vector<1x16xf32>,
    %swap3A_50 = arith.constant 6 : i32
    %swap3A_51 = arith.index_cast %swap3A_50 : i32 to index
    %swap3A_52 = arith.constant 0 : index
    %swap3A_53 = tpu.vector_load %arg16[%swap3A_51, %swap3A_52] {strides = array<i32>} : memref<8x16xf32, #tpu.memory_space<vmem>>, vector<1x16xf32>,
    %swap3A_54 = vector.shape_cast %swap3A_53 : vector<1x16xf32> to vector<16xf32>
    %swap3A_55 = vector.shape_cast %broadcast_in_dim3A_8 : vector<16xf32> to vector<1x16xf32>
    tpu.vector_store %arg16[%swap3A_51, %swap3A_52], %swap3A_55 {strides = array<i32>} : memref<8x16xf32, #tpu.memory_space<vmem>>, vector<1x16xf32>,
    %swap3A_56 = arith.constant 7 : i32
    %swap3A_57 = arith.index_cast %swap3A_56 : i32 to index
    %swap3A_58 = arith.constant 0 : index
    %swap3A_59 = tpu.vector_load %arg16[%swap3A_57, %swap3A_58] {strides = array<i32>} : memref<8x16xf32, #tpu.memory_space<vmem>>, vector<1x16xf32>,
    %swap3A_60 = vector.shape_cast %swap3A_59 : vector<1x16xf32> to vector<16xf32>
    %swap3A_61 = vector.shape_cast %broadcast_in_dim3A_8 : vector<16xf32> to vector<1x16xf32>
    tpu.vector_store %arg16[%swap3A_57, %swap3A_58], %swap3A_61 {strides = array<i32>} : memref<8x16xf32, #tpu.memory_space<vmem>>, vector<1x16xf32>,
    %broadcast_in_dim3A_62 = arith.constant 0 : i32
    %broadcast_in_dim3A_63 = vector.broadcast %broadcast_in_dim3A_62 : i32 to vector<16xi32>
    %broadcast_in_dim3A_64 = arith.constant -1 : i32
    %broadcast_in_dim3A_65 = vector.broadcast %broadcast_in_dim3A_64 : i32 to vector<16xi32>
    %scan3A = arith.constant 0 : i32
    %scan3A_66 = arith.constant 6248 : i32
    %scan3A_67 = arith.addi %scan3A, %scan3A_66 : i32
    %scan3A_68 = arith.constant 8 : i32
    %scan3A_69:2 = scf.for %scan3A_167 = %scan3A to %scan3A_67 step %scan3A_68 iter_args(%scan3A_168 = %broadcast_in_dim3A_65, %scan3A_169 = %broadcast_in_dim3A_10) -> (vector<16xi32>, vector<16xi32>)  : i32 {
      %mul3A_170 = arith.constant 16 : i32
      %mul3A_171 = arith.muli %scan3A_167, %mul3A_170 : i32
      %get3A_172 = arith.index_cast %mul3A_171 : i32 to index
      %get3A_173 = tpu.vector_load %arg10[%get3A_172] {strides = array<i32>} : memref<100000xi32, #tpu.memory_space<vmem>>, vector<16xi32>,
      %get3A_174 = vector.shape_cast %get3A_173 : vector<16xi32> to vector<16xi32>
      %xor3A_175 = arith.xori %get3A_174, %get3A_4 : vector<16xi32>
      %xor3A_176 = arith.xori %get3A_174, %get3A_7 : vector<16xi32>
      %min3A_177 = arith.minsi %xor3A_175, %xor3A_176 : vector<16xi32>
      %eq3A_178 = arith.constant 0 : i32
      %eq3A_179 = vector.broadcast %eq3A_178 : i32 to vector<16xi32>
      %eq3A_180 = arith.cmpi eq, %min3A_177, %eq3A_179 : vector<16xi32>
      %eq3A_181 = arith.cmpi eq, %scan3A_169, %broadcast_in_dim3A_63 : vector<16xi32>
      %broadcast_in_dim3A_182 = vector.broadcast %scan3A_167 : i32 to vector<16xi32>
      %select_n3A_183 = arith.select %eq3A_181, %broadcast_in_dim3A_182, %scan3A_168 : vector<16xi1>, vector<16xi32>
      %select_n3A_184 = arith.select %eq3A_180, %select_n3A_183, %scan3A_168 : vector<16xi1>, vector<16xi32>
      %select_n3A_185 = arith.select %eq3A_180, %broadcast_in_dim3A_12, %broadcast_in_dim3A_10 : vector<16xi1>, vector<16xi32>
      %add3A_186 = arith.addi %scan3A_169, %select_n3A_185 : vector<16xi32>
      %scan3A_187 = arith.constant 1 : i32
      %scan3A_188 = arith.addi %scan3A_167, %scan3A_187 : i32
      %mul3A_189 = arith.constant 16 : i32
      %mul3A_190 = arith.muli %scan3A_188, %mul3A_189 : i32
      %get3A_191 = arith.index_cast %mul3A_190 : i32 to index
      %get3A_192 = tpu.vector_load %arg10[%get3A_191] {strides = array<i32>} : memref<100000xi32, #tpu.memory_space<vmem>>, vector<16xi32>,
      %get3A_193 = vector.shape_cast %get3A_192 : vector<16xi32> to vector<16xi32>
      %xor3A_194 = arith.xori %get3A_193, %get3A_4 : vector<16xi32>
      %xor3A_195 = arith.xori %get3A_193, %get3A_7 : vector<16xi32>
      %min3A_196 = arith.minsi %xor3A_194, %xor3A_195 : vector<16xi32>
      %eq3A_197 = arith.constant 0 : i32
      %eq3A_198 = vector.broadcast %eq3A_197 : i32 to vector<16xi32>
      %eq3A_199 = arith.cmpi eq, %min3A_196, %eq3A_198 : vector<16xi32>
      %eq3A_200 = arith.cmpi eq, %add3A_186, %broadcast_in_dim3A_63 : vector<16xi32>
      %broadcast_in_dim3A_201 = vector.broadcast %scan3A_188 : i32 to vector<16xi32>
      %select_n3A_202 = arith.select %eq3A_200, %broadcast_in_dim3A_201, %select_n3A_184 : vector<16xi1>, vector<16xi32>
      %select_n3A_203 = arith.select %eq3A_199, %select_n3A_202, %select_n3A_184 : vector<16xi1>, vector<16xi32>
      %select_n3A_204 = arith.select %eq3A_199, %broadcast_in_dim3A_12, %broadcast_in_dim3A_10 : vector<16xi1>, vector<16xi32>
      %add3A_205 = arith.addi %add3A_186, %select_n3A_204 : vector<16xi32>
      %scan3A_206 = arith.constant 2 : i32
      %scan3A_207 = arith.addi %scan3A_167, %scan3A_206 : i32
      %mul3A_208 = arith.constant 16 : i32
      %mul3A_209 = arith.muli %scan3A_207, %mul3A_208 : i32
      %get3A_210 = arith.index_cast %mul3A_209 : i32 to index
      %get3A_211 = tpu.vector_load %arg10[%get3A_210] {strides = array<i32>} : memref<100000xi32, #tpu.memory_space<vmem>>, vector<16xi32>,
      %get3A_212 = vector.shape_cast %get3A_211 : vector<16xi32> to vector<16xi32>
      %xor3A_213 = arith.xori %get3A_212, %get3A_4 : vector<16xi32>
      %xor3A_214 = arith.xori %get3A_212, %get3A_7 : vector<16xi32>
      %min3A_215 = arith.minsi %xor3A_213, %xor3A_214 : vector<16xi32>
      %eq3A_216 = arith.constant 0 : i32
      %eq3A_217 = vector.broadcast %eq3A_216 : i32 to vector<16xi32>
      %eq3A_218 = arith.cmpi eq, %min3A_215, %eq3A_217 : vector<16xi32>
      %eq3A_219 = arith.cmpi eq, %add3A_205, %broadcast_in_dim3A_63 : vector<16xi32>
      %broadcast_in_dim3A_220 = vector.broadcast %scan3A_207 : i32 to vector<16xi32>
      %select_n3A_221 = arith.select %eq3A_219, %broadcast_in_dim3A_220, %select_n3A_203 : vector<16xi1>, vector<16xi32>
      %select_n3A_222 = arith.select %eq3A_218, %select_n3A_221, %select_n3A_203 : vector<16xi1>, vector<16xi32>
      %select_n3A_223 = arith.select %eq3A_218, %broadcast_in_dim3A_12, %broadcast_in_dim3A_10 : vector<16xi1>, vector<16xi32>
      %add3A_224 = arith.addi %add3A_205, %select_n3A_223 : vector<16xi32>
      %scan3A_225 = arith.constant 3 : i32
      %scan3A_226 = arith.addi %scan3A_167, %scan3A_225 : i32
      %mul3A_227 = arith.constant 16 : i32
      %mul3A_228 = arith.muli %scan3A_226, %mul3A_227 : i32
      %get3A_229 = arith.index_cast %mul3A_228 : i32 to index
      %get3A_230 = tpu.vector_load %arg10[%get3A_229] {strides = array<i32>} : memref<100000xi32, #tpu.memory_space<vmem>>, vector<16xi32>,
      %get3A_231 = vector.shape_cast %get3A_230 : vector<16xi32> to vector<16xi32>
      %xor3A_232 = arith.xori %get3A_231, %get3A_4 : vector<16xi32>
      %xor3A_233 = arith.xori %get3A_231, %get3A_7 : vector<16xi32>
      %min3A_234 = arith.minsi %xor3A_232, %xor3A_233 : vector<16xi32>
      %eq3A_235 = arith.constant 0 : i32
      %eq3A_236 = vector.broadcast %eq3A_235 : i32 to vector<16xi32>
      %eq3A_237 = arith.cmpi eq, %min3A_234, %eq3A_236 : vector<16xi32>
      %eq3A_238 = arith.cmpi eq, %add3A_224, %broadcast_in_dim3A_63 : vector<16xi32>
      %broadcast_in_dim3A_239 = vector.broadcast %scan3A_226 : i32 to vector<16xi32>
      %select_n3A_240 = arith.select %eq3A_238, %broadcast_in_dim3A_239, %select_n3A_222 : vector<16xi1>, vector<16xi32>
      %select_n3A_241 = arith.select %eq3A_237, %select_n3A_240, %select_n3A_222 : vector<16xi1>, vector<16xi32>
      %select_n3A_242 = arith.select %eq3A_237, %broadcast_in_dim3A_12, %broadcast_in_dim3A_10 : vector<16xi1>, vector<16xi32>
      %add3A_243 = arith.addi %add3A_224, %select_n3A_242 : vector<16xi32>
      %scan3A_244 = arith.constant 4 : i32
      %scan3A_245 = arith.addi %scan3A_167, %scan3A_244 : i32
      %mul3A_246 = arith.constant 16 : i32
      %mul3A_247 = arith.muli %scan3A_245, %mul3A_246 : i32
      %get3A_248 = arith.index_cast %mul3A_247 : i32 to index
      %get3A_249 = tpu.vector_load %arg10[%get3A_248] {strides = array<i32>} : memref<100000xi32, #tpu.memory_space<vmem>>, vector<16xi32>,
      %get3A_250 = vector.shape_cast %get3A_249 : vector<16xi32> to vector<16xi32>
      %xor3A_251 = arith.xori %get3A_250, %get3A_4 : vector<16xi32>
      %xor3A_252 = arith.xori %get3A_250, %get3A_7 : vector<16xi32>
      %min3A_253 = arith.minsi %xor3A_251, %xor3A_252 : vector<16xi32>
      %eq3A_254 = arith.constant 0 : i32
      %eq3A_255 = vector.broadcast %eq3A_254 : i32 to vector<16xi32>
      %eq3A_256 = arith.cmpi eq, %min3A_253, %eq3A_255 : vector<16xi32>
      %eq3A_257 = arith.cmpi eq, %add3A_243, %broadcast_in_dim3A_63 : vector<16xi32>
      %broadcast_in_dim3A_258 = vector.broadcast %scan3A_245 : i32 to vector<16xi32>
      %select_n3A_259 = arith.select %eq3A_257, %broadcast_in_dim3A_258, %select_n3A_241 : vector<16xi1>, vector<16xi32>
      %select_n3A_260 = arith.select %eq3A_256, %select_n3A_259, %select_n3A_241 : vector<16xi1>, vector<16xi32>
      %select_n3A_261 = arith.select %eq3A_256, %broadcast_in_dim3A_12, %broadcast_in_dim3A_10 : vector<16xi1>, vector<16xi32>
      %add3A_262 = arith.addi %add3A_243, %select_n3A_261 : vector<16xi32>
      %scan3A_263 = arith.constant 5 : i32
      %scan3A_264 = arith.addi %scan3A_167, %scan3A_263 : i32
      %mul3A_265 = arith.constant 16 : i32
      %mul3A_266 = arith.muli %scan3A_264, %mul3A_265 : i32
      %get3A_267 = arith.index_cast %mul3A_266 : i32 to index
      %get3A_268 = tpu.vector_load %arg10[%get3A_267] {strides = array<i32>} : memref<100000xi32, #tpu.memory_space<vmem>>, vector<16xi32>,
      %get3A_269 = vector.shape_cast %get3A_268 : vector<16xi32> to vector<16xi32>
      %xor3A_270 = arith.xori %get3A_269, %get3A_4 : vector<16xi32>
      %xor3A_271 = arith.xori %get3A_269, %get3A_7 : vector<16xi32>
      %min3A_272 = arith.minsi %xor3A_270, %xor3A_271 : vector<16xi32>
      %eq3A_273 = arith.constant 0 : i32
      %eq3A_274 = vector.broadcast %eq3A_273 : i32 to vector<16xi32>
      %eq3A_275 = arith.cmpi eq, %min3A_272, %eq3A_274 : vector<16xi32>
      %eq3A_276 = arith.cmpi eq, %add3A_262, %broadcast_in_dim3A_63 : vector<16xi32>
      %broadcast_in_dim3A_277 = vector.broadcast %scan3A_264 : i32 to vector<16xi32>
      %select_n3A_278 = arith.select %eq3A_276, %broadcast_in_dim3A_277, %select_n3A_260 : vector<16xi1>, vector<16xi32>
      %select_n3A_279 = arith.select %eq3A_275, %select_n3A_278, %select_n3A_260 : vector<16xi1>, vector<16xi32>
      %select_n3A_280 = arith.select %eq3A_275, %broadcast_in_dim3A_12, %broadcast_in_dim3A_10 : vector<16xi1>, vector<16xi32>
      %add3A_281 = arith.addi %add3A_262, %select_n3A_280 : vector<16xi32>
      %scan3A_282 = arith.constant 6 : i32
      %scan3A_283 = arith.addi %scan3A_167, %scan3A_282 : i32
      %mul3A_284 = arith.constant 16 : i32
      %mul3A_285 = arith.muli %scan3A_283, %mul3A_284 : i32
      %get3A_286 = arith.index_cast %mul3A_285 : i32 to index
      %get3A_287 = tpu.vector_load %arg10[%get3A_286] {strides = array<i32>} : memref<100000xi32, #tpu.memory_space<vmem>>, vector<16xi32>,
      %get3A_288 = vector.shape_cast %get3A_287 : vector<16xi32> to vector<16xi32>
      %xor3A_289 = arith.xori %get3A_288, %get3A_4 : vector<16xi32>
      %xor3A_290 = arith.xori %get3A_288, %get3A_7 : vector<16xi32>
      %min3A_291 = arith.minsi %xor3A_289, %xor3A_290 : vector<16xi32>
      %eq3A_292 = arith.constant 0 : i32
      %eq3A_293 = vector.broadcast %eq3A_292 : i32 to vector<16xi32>
      %eq3A_294 = arith.cmpi eq, %min3A_291, %eq3A_293 : vector<16xi32>
      %eq3A_295 = arith.cmpi eq, %add3A_281, %broadcast_in_dim3A_63 : vector<16xi32>
      %broadcast_in_dim3A_296 = vector.broadcast %scan3A_283 : i32 to vector<16xi32>
      %select_n3A_297 = arith.select %eq3A_295, %broadcast_in_dim3A_296, %select_n3A_279 : vector<16xi1>, vector<16xi32>
      %select_n3A_298 = arith.select %eq3A_294, %select_n3A_297, %select_n3A_279 : vector<16xi1>, vector<16xi32>
      %select_n3A_299 = arith.select %eq3A_294, %broadcast_in_dim3A_12, %broadcast_in_dim3A_10 : vector<16xi1>, vector<16xi32>
      %add3A_300 = arith.addi %add3A_281, %select_n3A_299 : vector<16xi32>
      %scan3A_301 = arith.constant 7 : i32
      %scan3A_302 = arith.addi %scan3A_167, %scan3A_301 : i32
      %mul3A_303 = arith.constant 16 : i32
      %mul3A_304 = arith.muli %scan3A_302, %mul3A_303 : i32
      %get3A_305 = arith.index_cast %mul3A_304 : i32 to index
      %get3A_306 = tpu.vector_load %arg10[%get3A_305] {strides = array<i32>} : memref<100000xi32, #tpu.memory_space<vmem>>, vector<16xi32>,
      %get3A_307 = vector.shape_cast %get3A_306 : vector<16xi32> to vector<16xi32>
      %xor3A_308 = arith.xori %get3A_307, %get3A_4 : vector<16xi32>
      %xor3A_309 = arith.xori %get3A_307, %get3A_7 : vector<16xi32>
      %min3A_310 = arith.minsi %xor3A_308, %xor3A_309 : vector<16xi32>
      %eq3A_311 = arith.constant 0 : i32
      %eq3A_312 = vector.broadcast %eq3A_311 : i32 to vector<16xi32>
      %eq3A_313 = arith.cmpi eq, %min3A_310, %eq3A_312 : vector<16xi32>
      %eq3A_314 = arith.cmpi eq, %add3A_300, %broadcast_in_dim3A_63 : vector<16xi32>
      %broadcast_in_dim3A_315 = vector.broadcast %scan3A_302 : i32 to vector<16xi32>
      %select_n3A_316 = arith.select %eq3A_314, %broadcast_in_dim3A_315, %select_n3A_298 : vector<16xi1>, vector<16xi32>
      %select_n3A_317 = arith.select %eq3A_313, %select_n3A_316, %select_n3A_298 : vector<16xi1>, vector<16xi32>
      %select_n3A_318 = arith.select %eq3A_313, %broadcast_in_dim3A_12, %broadcast_in_dim3A_10 : vector<16xi1>, vector<16xi32>
      %add3A_319 = arith.addi %add3A_300, %select_n3A_318 : vector<16xi32>
      scf.yield %select_n3A_317, %add3A_319 : vector<16xi32>, vector<16xi32>
    }
    %scan3A_70 = arith.constant 6248 : i32
    %scan3A_71 = arith.addi %scan3A, %scan3A_70 : i32
    %mul3A_72 = arith.constant 16 : i32
    %mul3A_73 = arith.muli %scan3A_71, %mul3A_72 : i32
    %get3A_74 = arith.index_cast %mul3A_73 : i32 to index
    %get3A_75 = tpu.vector_load %arg10[%get3A_74] {strides = array<i32>} : memref<100000xi32, #tpu.memory_space<vmem>>, vector<16xi32>,
    %get3A_76 = vector.shape_cast %get3A_75 : vector<16xi32> to vector<16xi32>
    %xor3A = arith.xori %get3A_76, %get3A_4 : vector<16xi32>
    %xor3A_77 = arith.xori %get3A_76, %get3A_7 : vector<16xi32>
    %min3A = arith.minsi %xor3A, %xor3A_77 : vector<16xi32>
    %eq3A = arith.constant 0 : i32
    %eq3A_78 = vector.broadcast %eq3A : i32 to vector<16xi32>
    %eq3A_79 = arith.cmpi eq, %min3A, %eq3A_78 : vector<16xi32>
    %eq3A_80 = arith.cmpi eq, %scan3A_69#1, %broadcast_in_dim3A_63 : vector<16xi32>
    %broadcast_in_dim3A_81 = vector.broadcast %scan3A_71 : i32 to vector<16xi32>
    %select_n3A = arith.select %eq3A_80, %broadcast_in_dim3A_81, %scan3A_69#0 : vector<16xi1>, vector<16xi32>
    %select_n3A_82 = arith.select %eq3A_79, %select_n3A, %scan3A_69#0 : vector<16xi1>, vector<16xi32>
    %select_n3A_83 = arith.select %eq3A_79, %broadcast_in_dim3A_12, %broadcast_in_dim3A_10 : vector<16xi1>, vector<16xi32>
    %add3A_84 = arith.addi %scan3A_69#1, %select_n3A_83 : vector<16xi32>
    %scan3A_85 = arith.constant 6249 : i32
    %scan3A_86 = arith.addi %scan3A, %scan3A_85 : i32
    %mul3A_87 = arith.constant 16 : i32
    %mul3A_88 = arith.muli %scan3A_86, %mul3A_87 : i32
    %get3A_89 = arith.index_cast %mul3A_88 : i32 to index
    %get3A_90 = tpu.vector_load %arg10[%get3A_89] {strides = array<i32>} : memref<100000xi32, #tpu.memory_space<vmem>>, vector<16xi32>,
    %get3A_91 = vector.shape_cast %get3A_90 : vector<16xi32> to vector<16xi32>
    %xor3A_92 = arith.xori %get3A_91, %get3A_4 : vector<16xi32>
    %xor3A_93 = arith.xori %get3A_91, %get3A_7 : vector<16xi32>
    %min3A_94 = arith.minsi %xor3A_92, %xor3A_93 : vector<16xi32>
    %eq3A_95 = arith.constant 0 : i32
    %eq3A_96 = vector.broadcast %eq3A_95 : i32 to vector<16xi32>
    %eq3A_97 = arith.cmpi eq, %min3A_94, %eq3A_96 : vector<16xi32>
    %eq3A_98 = arith.cmpi eq, %add3A_84, %broadcast_in_dim3A_63 : vector<16xi32>
    %broadcast_in_dim3A_99 = vector.broadcast %scan3A_86 : i32 to vector<16xi32>
    %select_n3A_100 = arith.select %eq3A_98, %broadcast_in_dim3A_99, %select_n3A_82 : vector<16xi1>, vector<16xi32>
    %select_n3A_101 = arith.select %eq3A_97, %select_n3A_100, %select_n3A_82 : vector<16xi1>, vector<16xi32>
    %select_n3A_102 = arith.select %eq3A_97, %broadcast_in_dim3A_12, %broadcast_in_dim3A_10 : vector<16xi1>, vector<16xi32>
    %add3A_103 = arith.addi %add3A_84, %select_n3A_102 : vector<16xi32>
    %scan3A_104 = arith.constant 6250 : i32
    %slice3A = vector.extract_strided_slice %add3A_103 {offsets = [0], sizes = [1], strides = [1]} : vector<16xi32> to vector<1xi32>
    %squeeze3A = vector.extract %slice3A[0] : i32 from vector<1xi32>
    %slice3A_105 = vector.extract_strided_slice %add3A_103 {offsets = [1], sizes = [1], strides = [1]} : vector<16xi32> to vector<1xi32>
    %squeeze3A_106 = vector.extract %slice3A_105[0] : i32 from vector<1xi32>
    %max3A = arith.maxsi %squeeze3A, %squeeze3A_106 : i32
    %slice3A_107 = vector.extract_strided_slice %add3A_103 {offsets = [2], sizes = [1], strides = [1]} : vector<16xi32> to vector<1xi32>
    %squeeze3A_108 = vector.extract %slice3A_107[0] : i32 from vector<1xi32>
    %max3A_109 = arith.maxsi %max3A, %squeeze3A_108 : i32
    %slice3A_110 = vector.extract_strided_slice %add3A_103 {offsets = [3], sizes = [1], strides = [1]} : vector<16xi32> to vector<1xi32>
    %squeeze3A_111 = vector.extract %slice3A_110[0] : i32 from vector<1xi32>
    %max3A_112 = arith.maxsi %max3A_109, %squeeze3A_111 : i32
    %slice3A_113 = vector.extract_strided_slice %add3A_103 {offsets = [4], sizes = [1], strides = [1]} : vector<16xi32> to vector<1xi32>
    %squeeze3A_114 = vector.extract %slice3A_113[0] : i32 from vector<1xi32>
    %max3A_115 = arith.maxsi %max3A_112, %squeeze3A_114 : i32
    %slice3A_116 = vector.extract_strided_slice %add3A_103 {offsets = [5], sizes = [1], strides = [1]} : vector<16xi32> to vector<1xi32>
    %squeeze3A_117 = vector.extract %slice3A_116[0] : i32 from vector<1xi32>
    %max3A_118 = arith.maxsi %max3A_115, %squeeze3A_117 : i32
    %slice3A_119 = vector.extract_strided_slice %add3A_103 {offsets = [6], sizes = [1], strides = [1]} : vector<16xi32> to vector<1xi32>
    %squeeze3A_120 = vector.extract %slice3A_119[0] : i32 from vector<1xi32>
    %max3A_121 = arith.maxsi %max3A_118, %squeeze3A_120 : i32
    %slice3A_122 = vector.extract_strided_slice %add3A_103 {offsets = [7], sizes = [1], strides = [1]} : vector<16xi32> to vector<1xi32>
    %squeeze3A_123 = vector.extract %slice3A_122[0] : i32 from vector<1xi32>
    %max3A_124 = arith.maxsi %max3A_121, %squeeze3A_123 : i32
    %slice3A_125 = vector.extract_strided_slice %add3A_103 {offsets = [8], sizes = [1], strides = [1]} : vector<16xi32> to vector<1xi32>
    %squeeze3A_126 = vector.extract %slice3A_125[0] : i32 from vector<1xi32>
    %max3A_127 = arith.maxsi %max3A_124, %squeeze3A_126 : i32
    %slice3A_128 = vector.extract_strided_slice %add3A_103 {offsets = [9], sizes = [1], strides = [1]} : vector<16xi32> to vector<1xi32>
    %squeeze3A_129 = vector.extract %slice3A_128[0] : i32 from vector<1xi32>
    %max3A_130 = arith.maxsi %max3A_127, %squeeze3A_129 : i32
    %slice3A_131 = vector.extract_strided_slice %add3A_103 {offsets = [10], sizes = [1], strides = [1]} : vector<16xi32> to vector<1xi32>
    %squeeze3A_132 = vector.extract %slice3A_131[0] : i32 from vector<1xi32>
    %max3A_133 = arith.maxsi %max3A_130, %squeeze3A_132 : i32
    %slice3A_134 = vector.extract_strided_slice %add3A_103 {offsets = [11], sizes = [1], strides = [1]} : vector<16xi32> to vector<1xi32>
    %squeeze3A_135 = vector.extract %slice3A_134[0] : i32 from vector<1xi32>
    %max3A_136 = arith.maxsi %max3A_133, %squeeze3A_135 : i32
    %slice3A_137 = vector.extract_strided_slice %add3A_103 {offsets = [12], sizes = [1], strides = [1]} : vector<16xi32> to vector<1xi32>
    %squeeze3A_138 = vector.extract %slice3A_137[0] : i32 from vector<1xi32>
    %max3A_139 = arith.maxsi %max3A_136, %squeeze3A_138 : i32
    %slice3A_140 = vector.extract_strided_slice %add3A_103 {offsets = [13], sizes = [1], strides = [1]} : vector<16xi32> to vector<1xi32>
    %squeeze3A_141 = vector.extract %slice3A_140[0] : i32 from vector<1xi32>
    %max3A_142 = arith.maxsi %max3A_139, %squeeze3A_141 : i32
    %slice3A_143 = vector.extract_strided_slice %add3A_103 {offsets = [14], sizes = [1], strides = [1]} : vector<16xi32> to vector<1xi32>
    %squeeze3A_144 = vector.extract %slice3A_143[0] : i32 from vector<1xi32>
    %max3A_145 = arith.maxsi %max3A_142, %squeeze3A_144 : i32
    %slice3A_146 = vector.extract_strided_slice %add3A_103 {offsets = [15], sizes = [1], strides = [1]} : vector<16xi32> to vector<1xi32>
    %squeeze3A_147 = vector.extract %slice3A_146[0] : i32 from vector<1xi32>
    %max3A_148 = arith.maxsi %max3A_145, %squeeze3A_147 : i32
    %gt3A = arith.constant 0 : i32
    %gt3A_149 = arith.cmpi sgt, %max3A_148, %gt3A : i32
    %convert_element_type3A = arith.extui %gt3A_149 : i1 to i32
    %cond3A = arith.constant 0 : i32
    %cond3A_150 = arith.cmpi ne, %convert_element_type3A, %cond3A : i32
    scf.if %cond3A_150 {
      %gt3A_167 = arith.constant 0 : i32
      %gt3A_168 = vector.broadcast %gt3A_167 : i32 to vector<16xi32>
      %gt3A_169 = arith.cmpi sgt, %add3A_103, %gt3A_168 : vector<16xi32>
      %mul3A_170 = arith.constant 16 : i32
      %mul3A_171 = vector.broadcast %mul3A_170 : i32 to vector<16xi32>
      %mul3A_172 = arith.muli %select_n3A_101, %mul3A_171 : vector<16xi32>
      %add3A_173 = arith.addi %mul3A_172, %iota3A : vector<16xi32>
      %select_n3A_174 = arith.select %gt3A_169, %add3A_173, %broadcast_in_dim3A_10 : vector<16xi1>, vector<16xi32>
      %add3A_175 = vector.broadcast %mul3A_2 : i32 to vector<16xi32>
      %add3A_176 = arith.addi %select_n3A_174, %add3A_175 : vector<16xi32>
      %select_n3A_177 = arith.select %gt3A_169, %add3A_176, %broadcast_in_dim3A_10 : vector<16xi1>, vector<16xi32>
      %dma_start3A = arith.constant 0 : i32
      %dma_start3A_178 = tpu.memref_slice %arg3[%dma_start3A] : memref<3200000xi32, #tpu.memory_space<hbm>> -> memref<3200000xi32, #tpu.memory_space<hbm>>
      tpu.enqueue_indirect_dma source(%dma_start3A_178 : memref<3200000xi32, #tpu.memory_space<hbm>>) target(%arg13 : memref<16xi32, #tpu.memory_space<vmem>>) offsets(%select_n3A_177 : vector<16xi32>) semaphore(%arg17 : memref<!tpu.dma_semaphore, #tpu.memory_space<semaphore_mem>>)
      %add3A_179 = vector.broadcast %mul3A_2 : i32 to vector<16xi32>
      %add3A_180 = arith.addi %select_n3A_174, %add3A_179 : vector<16xi32>
      %select_n3A_181 = arith.select %gt3A_169, %add3A_180, %broadcast_in_dim3A_10 : vector<16xi1>, vector<16xi32>
      %dma_start3A_182 = arith.constant 0 : i32
      %dma_start3A_183 = tpu.memref_slice %arg2[%dma_start3A_182] : memref<3200000xi32, #tpu.memory_space<hbm>> -> memref<3200000xi32, #tpu.memory_space<hbm>>
      tpu.enqueue_indirect_dma source(%dma_start3A_183 : memref<3200000xi32, #tpu.memory_space<hbm>>) target(%arg14 : memref<16xi32, #tpu.memory_space<vmem>>) offsets(%select_n3A_181 : vector<16xi32>) semaphore(%arg17 : memref<!tpu.dma_semaphore, #tpu.memory_space<semaphore_mem>>)
      %dma_wait3A = arith.constant 0 : i32
      %dma_wait3A_184 = tpu.memref_slice %arg3[%dma_wait3A] : memref<3200000xi32, #tpu.memory_space<hbm>> -> memref<3200000xi32, #tpu.memory_space<hbm>>
      tpu.wait_indirect_dma semaphore(%arg17 : memref<!tpu.dma_semaphore, #tpu.memory_space<semaphore_mem>>) src(%dma_wait3A_184 : memref<3200000xi32, #tpu.memory_space<hbm>>) dst(%arg13 : memref<16xi32, #tpu.memory_space<vmem>>)
      %dma_wait3A_185 = arith.constant 0 : i32
      %dma_wait3A_186 = tpu.memref_slice %arg2[%dma_wait3A_185] : memref<3200000xi32, #tpu.memory_space<hbm>> -> memref<3200000xi32, #tpu.memory_space<hbm>>
      tpu.wait_indirect_dma semaphore(%arg17 : memref<!tpu.dma_semaphore, #tpu.memory_space<semaphore_mem>>) src(%dma_wait3A_186 : memref<3200000xi32, #tpu.memory_space<hbm>>) dst(%arg14 : memref<16xi32, #tpu.memory_space<vmem>>)
      %get3A_187 = arith.constant 0 : index
      %get3A_188 = tpu.vector_load %arg14[%get3A_187] {strides = array<i32>} : memref<16xi32, #tpu.memory_space<vmem>>, vector<16xi32>,
      %get3A_189 = vector.shape_cast %get3A_188 : vector<16xi32> to vector<16xi32>
      %broadcast_in_dim3A_190 = arith.constant -1 : i32
      %broadcast_in_dim3A_191 = vector.broadcast %broadcast_in_dim3A_190 : i32 to vector<16xi32>
      %select_n3A_192 = arith.select %gt3A_169, %get3A_189, %broadcast_in_dim3A_191 : vector<16xi1>, vector<16xi32>
      %get3A_193 = arith.constant 0 : index
      %get3A_194 = tpu.vector_load %arg13[%get3A_193] {strides = array<i32>} : memref<16xi32, #tpu.memory_space<vmem>>, vector<16xi32>,
      %get3A_195 = vector.shape_cast %get3A_194 : vector<16xi32> to vector<16xi32>
      %select_n3A_196 = arith.select %gt3A_169, %get3A_195, %broadcast_in_dim3A_10 : vector<16xi1>, vector<16xi32>
      %dma_start3A_197 = arith.constant 0 : i32
      %dma_start3A_198 = arith.constant 0 : i32
      %dma_start3A_199 = tpu.memref_slice %arg15[%dma_start3A_197, %dma_start3A_198] : memref<3x16xf32, #tpu.memory_space<vmem>> -> memref<1x16xf32, #tpu.memory_space<vmem>>
      %dma_start3A_200 = tpu.memref_squeeze %dma_start3A_199 : memref<1x16xf32, #tpu.memory_space<vmem>> -> memref<16xf32, #tpu.memory_space<vmem>>
      %dma_start3A_201 = arith.constant 0 : i32
      %dma_start3A_202 = tpu.memref_slice %arg4[%dma_start3A_201] : memref<100000xf32, #tpu.memory_space<hbm>> -> memref<100000xf32, #tpu.memory_space<hbm>>
      tpu.enqueue_indirect_dma source(%dma_start3A_202 : memref<100000xf32, #tpu.memory_space<hbm>>) target(%dma_start3A_200 : memref<16xf32, #tpu.memory_space<vmem>>) offsets(%select_n3A_196 : vector<16xi32>) semaphore(%arg17 : memref<!tpu.dma_semaphore, #tpu.memory_space<semaphore_mem>>)
      %dma_start3A_203 = arith.constant 1 : i32
      %dma_start3A_204 = arith.constant 0 : i32
      %dma_start3A_205 = tpu.memref_slice %arg15[%dma_start3A_203, %dma_start3A_204] : memref<3x16xf32, #tpu.memory_space<vmem>> -> memref<1x16xf32, #tpu.memory_space<vmem>>
      %dma_start3A_206 = tpu.memref_squeeze %dma_start3A_205 : memref<1x16xf32, #tpu.memory_space<vmem>> -> memref<16xf32, #tpu.memory_space<vmem>>
      %dma_start3A_207 = arith.constant 0 : i32
      %dma_start3A_208 = tpu.memref_slice %arg5[%dma_start3A_207] : memref<100000xf32, #tpu.memory_space<hbm>> -> memref<100000xf32, #tpu.memory_space<hbm>>
      tpu.enqueue_indirect_dma source(%dma_start3A_208 : memref<100000xf32, #tpu.memory_space<hbm>>) target(%dma_start3A_206 : memref<16xf32, #tpu.memory_space<vmem>>) offsets(%select_n3A_196 : vector<16xi32>) semaphore(%arg17 : memref<!tpu.dma_semaphore, #tpu.memory_space<semaphore_mem>>)
      %dma_start3A_209 = arith.constant 2 : i32
      %dma_start3A_210 = arith.constant 0 : i32
      %dma_start3A_211 = tpu.memref_slice %arg15[%dma_start3A_209, %dma_start3A_210] : memref<3x16xf32, #tpu.memory_space<vmem>> -> memref<1x16xf32, #tpu.memory_space<vmem>>
      %dma_start3A_212 = tpu.memref_squeeze %dma_start3A_211 : memref<1x16xf32, #tpu.memory_space<vmem>> -> memref<16xf32, #tpu.memory_space<vmem>>
      %dma_start3A_213 = arith.constant 0 : i32
      %dma_start3A_214 = tpu.memref_slice %arg6[%dma_start3A_213] : memref<100000xf32, #tpu.memory_space<hbm>> -> memref<100000xf32, #tpu.memory_space<hbm>>
      tpu.enqueue_indirect_dma source(%dma_start3A_214 : memref<100000xf32, #tpu.memory_space<hbm>>) target(%dma_start3A_212 : memref<16xf32, #tpu.memory_space<vmem>>) offsets(%select_n3A_196 : vector<16xi32>) semaphore(%arg17 : memref<!tpu.dma_semaphore, #tpu.memory_space<semaphore_mem>>)
      %dma_wait3A_215 = arith.constant 0 : i32
      %dma_wait3A_216 = arith.constant 0 : i32
      %dma_wait3A_217 = tpu.memref_slice %arg15[%dma_wait3A_215, %dma_wait3A_216] : memref<3x16xf32, #tpu.memory_space<vmem>> -> memref<1x16xf32, #tpu.memory_space<vmem>>
      %dma_wait3A_218 = tpu.memref_squeeze %dma_wait3A_217 : memref<1x16xf32, #tpu.memory_space<vmem>> -> memref<16xf32, #tpu.memory_space<vmem>>
      %dma_wait3A_219 = arith.constant 0 : i32
      %dma_wait3A_220 = tpu.memref_slice %arg4[%dma_wait3A_219] : memref<100000xf32, #tpu.memory_space<hbm>> -> memref<100000xf32, #tpu.memory_space<hbm>>
      tpu.wait_indirect_dma semaphore(%arg17 : memref<!tpu.dma_semaphore, #tpu.memory_space<semaphore_mem>>) src(%dma_wait3A_220 : memref<100000xf32, #tpu.memory_space<hbm>>) dst(%dma_wait3A_218 : memref<16xf32, #tpu.memory_space<vmem>>)
      %dma_wait3A_221 = arith.constant 1 : i32
      %dma_wait3A_222 = arith.constant 0 : i32
      %dma_wait3A_223 = tpu.memref_slice %arg15[%dma_wait3A_221, %dma_wait3A_222] : memref<3x16xf32, #tpu.memory_space<vmem>> -> memref<1x16xf32, #tpu.memory_space<vmem>>
      %dma_wait3A_224 = tpu.memref_squeeze %dma_wait3A_223 : memref<1x16xf32, #tpu.memory_space<vmem>> -> memref<16xf32, #tpu.memory_space<vmem>>
      %dma_wait3A_225 = arith.constant 0 : i32
      %dma_wait3A_226 = tpu.memref_slice %arg5[%dma_wait3A_225] : memref<100000xf32, #tpu.memory_space<hbm>> -> memref<100000xf32, #tpu.memory_space<hbm>>
      tpu.wait_indirect_dma semaphore(%arg17 : memref<!tpu.dma_semaphore, #tpu.memory_space<semaphore_mem>>) src(%dma_wait3A_226 : memref<100000xf32, #tpu.memory_space<hbm>>) dst(%dma_wait3A_224 : memref<16xf32, #tpu.memory_space<vmem>>)
      %dma_wait3A_227 = arith.constant 2 : i32
      %dma_wait3A_228 = arith.constant 0 : i32
      %dma_wait3A_229 = tpu.memref_slice %arg15[%dma_wait3A_227, %dma_wait3A_228] : memref<3x16xf32, #tpu.memory_space<vmem>> -> memref<1x16xf32, #tpu.memory_space<vmem>>
      %dma_wait3A_230 = tpu.memref_squeeze %dma_wait3A_229 : memref<1x16xf32, #tpu.memory_space<vmem>> -> memref<16xf32, #tpu.memory_space<vmem>>
      %dma_wait3A_231 = arith.constant 0 : i32
      %dma_wait3A_232 = tpu.memref_slice %arg6[%dma_wait3A_231] : memref<100000xf32, #tpu.memory_space<hbm>> -> memref<100000xf32, #tpu.memory_space<hbm>>
      tpu.wait_indirect_dma semaphore(%arg17 : memref<!tpu.dma_semaphore, #tpu.memory_space<semaphore_mem>>) src(%dma_wait3A_232 : memref<100000xf32, #tpu.memory_space<hbm>>) dst(%dma_wait3A_230 : memref<16xf32, #tpu.memory_space<vmem>>)
      %eq3A_233 = arith.cmpi eq, %select_n3A_192, %get3A_4 : vector<16xi32>
      %eq3A_234 = arith.cmpi eq, %select_n3A_192, %get3A_7 : vector<16xi32>
      %get3A_235 = arith.constant 0 : i32
      %get3A_236 = arith.index_cast %get3A_235 : i32 to index
      %get3A_237 = arith.constant 0 : index
      %get3A_238 = tpu.vector_load %arg16[%get3A_236, %get3A_237] {strides = array<i32>} : memref<8x16xf32, #tpu.memory_space<vmem>>, vector<1x16xf32>,
      %get3A_239 = vector.shape_cast %get3A_238 : vector<1x16xf32> to vector<16xf32>
      %get3A_240 = arith.constant 0 : i32
      %get3A_241 = arith.index_cast %get3A_240 : i32 to index
      %get3A_242 = arith.constant 0 : index
      %get3A_243 = tpu.vector_load %arg15[%get3A_241, %get3A_242] {strides = array<i32>} : memref<3x16xf32, #tpu.memory_space<vmem>>, vector<1x16xf32>,
      %get3A_244 = vector.shape_cast %get3A_243 : vector<1x16xf32> to vector<16xf32>
      %select_n3A_245 = arith.select %eq3A_233, %get3A_244, %broadcast_in_dim3A_8 : vector<16xi1>, vector<16xf32>
      %add3A_246 = arith.addf %get3A_239, %select_n3A_245 : vector<16xf32>
      %swap3A_247 = arith.constant 0 : i32
      %swap3A_248 = arith.index_cast %swap3A_247 : i32 to index
      %swap3A_249 = arith.constant 0 : index
      %swap3A_250 = tpu.vector_load %arg16[%swap3A_248, %swap3A_249] {strides = array<i32>} : memref<8x16xf32, #tpu.memory_space<vmem>>, vector<1x16xf32>,
      %swap3A_251 = vector.shape_cast %swap3A_250 : vector<1x16xf32> to vector<16xf32>
      %swap3A_252 = vector.shape_cast %add3A_246 : vector<16xf32> to vector<1x16xf32>
      tpu.vector_store %arg16[%swap3A_248, %swap3A_249], %swap3A_252 {strides = array<i32>} : memref<8x16xf32, #tpu.memory_space<vmem>>, vector<1x16xf32>,
      %get3A_253 = arith.constant 3 : i32
      %get3A_254 = arith.index_cast %get3A_253 : i32 to index
      %get3A_255 = arith.constant 0 : index
      %get3A_256 = tpu.vector_load %arg16[%get3A_254, %get3A_255] {strides = array<i32>} : memref<8x16xf32, #tpu.memory_space<vmem>>, vector<1x16xf32>,
      %get3A_257 = vector.shape_cast %get3A_256 : vector<1x16xf32> to vector<16xf32>
      %get3A_258 = arith.constant 0 : i32
      %get3A_259 = arith.index_cast %get3A_258 : i32 to index
      %get3A_260 = arith.constant 0 : index
      %get3A_261 = tpu.vector_load %arg15[%get3A_259, %get3A_260] {strides = array<i32>} : memref<3x16xf32, #tpu.memory_space<vmem>>, vector<1x16xf32>,
      %get3A_262 = vector.shape_cast %get3A_261 : vector<1x16xf32> to vector<16xf32>
      %select_n3A_263 = arith.select %eq3A_234, %get3A_262, %broadcast_in_dim3A_8 : vector<16xi1>, vector<16xf32>
      %add3A_264 = arith.addf %get3A_257, %select_n3A_263 : vector<16xf32>
      %swap3A_265 = arith.constant 3 : i32
      %swap3A_266 = arith.index_cast %swap3A_265 : i32 to index
      %swap3A_267 = arith.constant 0 : index
      %swap3A_268 = tpu.vector_load %arg16[%swap3A_266, %swap3A_267] {strides = array<i32>} : memref<8x16xf32, #tpu.memory_space<vmem>>, vector<1x16xf32>,
      %swap3A_269 = vector.shape_cast %swap3A_268 : vector<1x16xf32> to vector<16xf32>
      %swap3A_270 = vector.shape_cast %add3A_264 : vector<16xf32> to vector<1x16xf32>
      tpu.vector_store %arg16[%swap3A_266, %swap3A_267], %swap3A_270 {strides = array<i32>} : memref<8x16xf32, #tpu.memory_space<vmem>>, vector<1x16xf32>,
      %get3A_271 = arith.constant 1 : i32
      %get3A_272 = arith.index_cast %get3A_271 : i32 to index
      %get3A_273 = arith.constant 0 : index
      %get3A_274 = tpu.vector_load %arg16[%get3A_272, %get3A_273] {strides = array<i32>} : memref<8x16xf32, #tpu.memory_space<vmem>>, vector<1x16xf32>,
      %get3A_275 = vector.shape_cast %get3A_274 : vector<1x16xf32> to vector<16xf32>
      %get3A_276 = arith.constant 1 : i32
      %get3A_277 = arith.index_cast %get3A_276 : i32 to index
      %get3A_278 = arith.constant 0 : index
      %get3A_279 = tpu.vector_load %arg15[%get3A_277, %get3A_278] {strides = array<i32>} : memref<3x16xf32, #tpu.memory_space<vmem>>, vector<1x16xf32>,
      %get3A_280 = vector.shape_cast %get3A_279 : vector<1x16xf32> to vector<16xf32>
      %select_n3A_281 = arith.select %eq3A_233, %get3A_280, %broadcast_in_dim3A_8 : vector<16xi1>, vector<16xf32>
      %add3A_282 = arith.addf %get3A_275, %select_n3A_281 : vector<16xf32>
      %swap3A_283 = arith.constant 1 : i32
      %swap3A_284 = arith.index_cast %swap3A_283 : i32 to index
      %swap3A_285 = arith.constant 0 : index
      %swap3A_286 = tpu.vector_load %arg16[%swap3A_284, %swap3A_285] {strides = array<i32>} : memref<8x16xf32, #tpu.memory_space<vmem>>, vector<1x16xf32>,
      %swap3A_287 = vector.shape_cast %swap3A_286 : vector<1x16xf32> to vector<16xf32>
      %swap3A_288 = vector.shape_cast %add3A_282 : vector<16xf32> to vector<1x16xf32>
      tpu.vector_store %arg16[%swap3A_284, %swap3A_285], %swap3A_288 {strides = array<i32>} : memref<8x16xf32, #tpu.memory_space<vmem>>, vector<1x16xf32>,
      %get3A_289 = arith.constant 4 : i32
      %get3A_290 = arith.index_cast %get3A_289 : i32 to index
      %get3A_291 = arith.constant 0 : index
      %get3A_292 = tpu.vector_load %arg16[%get3A_290, %get3A_291] {strides = array<i32>} : memref<8x16xf32, #tpu.memory_space<vmem>>, vector<1x16xf32>,
      %get3A_293 = vector.shape_cast %get3A_292 : vector<1x16xf32> to vector<16xf32>
      %get3A_294 = arith.constant 1 : i32
      %get3A_295 = arith.index_cast %get3A_294 : i32 to index
      %get3A_296 = arith.constant 0 : index
      %get3A_297 = tpu.vector_load %arg15[%get3A_295, %get3A_296] {strides = array<i32>} : memref<3x16xf32, #tpu.memory_space<vmem>>, vector<1x16xf32>,
      %get3A_298 = vector.shape_cast %get3A_297 : vector<1x16xf32> to vector<16xf32>
      %select_n3A_299 = arith.select %eq3A_234, %get3A_298, %broadcast_in_dim3A_8 : vector<16xi1>, vector<16xf32>
      %add3A_300 = arith.addf %get3A_293, %select_n3A_299 : vector<16xf32>
      %swap3A_301 = arith.constant 4 : i32
      %swap3A_302 = arith.index_cast %swap3A_301 : i32 to index
      %swap3A_303 = arith.constant 0 : index
      %swap3A_304 = tpu.vector_load %arg16[%swap3A_302, %swap3A_303] {strides = array<i32>} : memref<8x16xf32, #tpu.memory_space<vmem>>, vector<1x16xf32>,
      %swap3A_305 = vector.shape_cast %swap3A_304 : vector<1x16xf32> to vector<16xf32>
      %swap3A_306 = vector.shape_cast %add3A_300 : vector<16xf32> to vector<1x16xf32>
      tpu.vector_store %arg16[%swap3A_302, %swap3A_303], %swap3A_306 {strides = array<i32>} : memref<8x16xf32, #tpu.memory_space<vmem>>, vector<1x16xf32>,
      %get3A_307 = arith.constant 2 : i32
      %get3A_308 = arith.index_cast %get3A_307 : i32 to index
      %get3A_309 = arith.constant 0 : index
      %get3A_310 = tpu.vector_load %arg16[%get3A_308, %get3A_309] {strides = array<i32>} : memref<8x16xf32, #tpu.memory_space<vmem>>, vector<1x16xf32>,
      %get3A_311 = vector.shape_cast %get3A_310 : vector<1x16xf32> to vector<16xf32>
      %get3A_312 = arith.constant 2 : i32
      %get3A_313 = arith.index_cast %get3A_312 : i32 to index
      %get3A_314 = arith.constant 0 : index
      %get3A_315 = tpu.vector_load %arg15[%get3A_313, %get3A_314] {strides = array<i32>} : memref<3x16xf32, #tpu.memory_space<vmem>>, vector<1x16xf32>,
      %get3A_316 = vector.shape_cast %get3A_315 : vector<1x16xf32> to vector<16xf32>
      %select_n3A_317 = arith.select %eq3A_233, %get3A_316, %broadcast_in_dim3A_8 : vector<16xi1>, vector<16xf32>
      %add3A_318 = arith.addf %get3A_311, %select_n3A_317 : vector<16xf32>
      %swap3A_319 = arith.constant 2 : i32
      %swap3A_320 = arith.index_cast %swap3A_319 : i32 to index
      %swap3A_321 = arith.constant 0 : index
      %swap3A_322 = tpu.vector_load %arg16[%swap3A_320, %swap3A_321] {strides = array<i32>} : memref<8x16xf32, #tpu.memory_space<vmem>>, vector<1x16xf32>,
      %swap3A_323 = vector.shape_cast %swap3A_322 : vector<1x16xf32> to vector<16xf32>
      %swap3A_324 = vector.shape_cast %add3A_318 : vector<16xf32> to vector<1x16xf32>
      tpu.vector_store %arg16[%swap3A_320, %swap3A_321], %swap3A_324 {strides = array<i32>} : memref<8x16xf32, #tpu.memory_space<vmem>>, vector<1x16xf32>,
      %get3A_325 = arith.constant 5 : i32
      %get3A_326 = arith.index_cast %get3A_325 : i32 to index
      %get3A_327 = arith.constant 0 : index
      %get3A_328 = tpu.vector_load %arg16[%get3A_326, %get3A_327] {strides = array<i32>} : memref<8x16xf32, #tpu.memory_space<vmem>>, vector<1x16xf32>,
      %get3A_329 = vector.shape_cast %get3A_328 : vector<1x16xf32> to vector<16xf32>
      %get3A_330 = arith.constant 2 : i32
      %get3A_331 = arith.index_cast %get3A_330 : i32 to index
      %get3A_332 = arith.constant 0 : index
      %get3A_333 = tpu.vector_load %arg15[%get3A_331, %get3A_332] {strides = array<i32>} : memref<3x16xf32, #tpu.memory_space<vmem>>, vector<1x16xf32>,
      %get3A_334 = vector.shape_cast %get3A_333 : vector<1x16xf32> to vector<16xf32>
      %select_n3A_335 = arith.select %eq3A_234, %get3A_334, %broadcast_in_dim3A_8 : vector<16xi1>, vector<16xf32>
      %add3A_336 = arith.addf %get3A_329, %select_n3A_335 : vector<16xf32>
      %swap3A_337 = arith.constant 5 : i32
      %swap3A_338 = arith.index_cast %swap3A_337 : i32 to index
      %swap3A_339 = arith.constant 0 : index
      %swap3A_340 = tpu.vector_load %arg16[%swap3A_338, %swap3A_339] {strides = array<i32>} : memref<8x16xf32, #tpu.memory_space<vmem>>, vector<1x16xf32>,
      %swap3A_341 = vector.shape_cast %swap3A_340 : vector<1x16xf32> to vector<16xf32>
      %swap3A_342 = vector.shape_cast %add3A_336 : vector<16xf32> to vector<1x16xf32>
      tpu.vector_store %arg16[%swap3A_338, %swap3A_339], %swap3A_342 {strides = array<i32>} : memref<8x16xf32, #tpu.memory_space<vmem>>, vector<1x16xf32>,
    } else {
    }
    %sub3A = arith.constant 1 : i32
    %sub3A_151 = arith.subi %max3A_148, %sub3A : i32
    %sub3A_152 = arith.constant 1 : i32
    %sub3A_153 = arith.constant 1 : i32
    %sub3A_154 = arith.subi %sub3A_152, %sub3A_153 : i32
    %add3A_155 = arith.addi %sub3A_151, %sub3A_154 : i32
    %div3A = arith.constant 1 : i32
    %div3A_156 = arith.divsi %add3A_155, %div3A : i32
    %while3A = arith.constant 1 : i32
    %while3A_157 = arith.constant 1 : i32
    %while3A_158 = arith.constant 0 : i32
    %while3A_159 = arith.subi %div3A_156, %while3A_158 : i32
    %while3A_160 = arith.addi %while3A_158, %while3A_159 : i32
    %while3A_161 = arith.constant 1 : i32
    %while3A_162 = arith.divsi %while3A_159, %while3A_161 : i32
    %while3A_163 = arith.muli %while3A_162, %while3A_161 : i32
    %while3A_164 = arith.addi %while3A_158, %while3A_163 : i32
    %while3A_165 = arith.constant 1 : i32
    scf.for %while3A_167 = %while3A_158 to %while3A_164 step %while3A_165  : i32 {
      %mul3A_168 = arith.muli %while3A_167, %while3A : i32
      %add3A_169 = arith.addi %while3A_157, %mul3A_168 : i32
      %broadcast_in_dim3A_170 = vector.broadcast %add3A_169 : i32 to vector<16xi32>
      %broadcast_in_dim3A_171 = arith.constant -1 : i32
      %broadcast_in_dim3A_172 = vector.broadcast %broadcast_in_dim3A_171 : i32 to vector<16xi32>
      %scan3A_173 = arith.constant 0 : i32
      %scan3A_174 = arith.constant 6248 : i32
      %scan3A_175 = arith.addi %scan3A_173, %scan3A_174 : i32
      %scan3A_176 = arith.constant 8 : i32
      %scan3A_177:2 = scf.for %scan3A_392 = %scan3A_173 to %scan3A_175 step %scan3A_176 iter_args(%scan3A_393 = %broadcast_in_dim3A_172, %scan3A_394 = %broadcast_in_dim3A_10) -> (vector<16xi32>, vector<16xi32>)  : i32 {
        %mul3A_395 = arith.constant 16 : i32
        %mul3A_396 = arith.muli %scan3A_392, %mul3A_395 : i32
        %get3A_397 = arith.index_cast %mul3A_396 : i32 to index
        %get3A_398 = tpu.vector_load %arg10[%get3A_397] {strides = array<i32>} : memref<100000xi32, #tpu.memory_space<vmem>>, vector<16xi32>,
        %get3A_399 = vector.shape_cast %get3A_398 : vector<16xi32> to vector<16xi32>
        %xor3A_400 = arith.xori %get3A_399, %get3A_4 : vector<16xi32>
        %xor3A_401 = arith.xori %get3A_399, %get3A_7 : vector<16xi32>
        %min3A_402 = arith.minsi %xor3A_400, %xor3A_401 : vector<16xi32>
        %eq3A_403 = arith.constant 0 : i32
        %eq3A_404 = vector.broadcast %eq3A_403 : i32 to vector<16xi32>
        %eq3A_405 = arith.cmpi eq, %min3A_402, %eq3A_404 : vector<16xi32>
        %eq3A_406 = arith.cmpi eq, %scan3A_394, %broadcast_in_dim3A_170 : vector<16xi32>
        %broadcast_in_dim3A_407 = vector.broadcast %scan3A_392 : i32 to vector<16xi32>
        %select_n3A_408 = arith.select %eq3A_406, %broadcast_in_dim3A_407, %scan3A_393 : vector<16xi1>, vector<16xi32>
        %select_n3A_409 = arith.select %eq3A_405, %select_n3A_408, %scan3A_393 : vector<16xi1>, vector<16xi32>
        %select_n3A_410 = arith.select %eq3A_405, %broadcast_in_dim3A_12, %broadcast_in_dim3A_10 : vector<16xi1>, vector<16xi32>
        %add3A_411 = arith.addi %scan3A_394, %select_n3A_410 : vector<16xi32>
        %scan3A_412 = arith.constant 1 : i32
        %scan3A_413 = arith.addi %scan3A_392, %scan3A_412 : i32
        %mul3A_414 = arith.constant 16 : i32
        %mul3A_415 = arith.muli %scan3A_413, %mul3A_414 : i32
        %get3A_416 = arith.index_cast %mul3A_415 : i32 to index
        %get3A_417 = tpu.vector_load %arg10[%get3A_416] {strides = array<i32>} : memref<100000xi32, #tpu.memory_space<vmem>>, vector<16xi32>,
        %get3A_418 = vector.shape_cast %get3A_417 : vector<16xi32> to vector<16xi32>
        %xor3A_419 = arith.xori %get3A_418, %get3A_4 : vector<16xi32>
        %xor3A_420 = arith.xori %get3A_418, %get3A_7 : vector<16xi32>
        %min3A_421 = arith.minsi %xor3A_419, %xor3A_420 : vector<16xi32>
        %eq3A_422 = arith.constant 0 : i32
        %eq3A_423 = vector.broadcast %eq3A_422 : i32 to vector<16xi32>
        %eq3A_424 = arith.cmpi eq, %min3A_421, %eq3A_423 : vector<16xi32>
        %eq3A_425 = arith.cmpi eq, %add3A_411, %broadcast_in_dim3A_170 : vector<16xi32>
        %broadcast_in_dim3A_426 = vector.broadcast %scan3A_413 : i32 to vector<16xi32>
        %select_n3A_427 = arith.select %eq3A_425, %broadcast_in_dim3A_426, %select_n3A_409 : vector<16xi1>, vector<16xi32>
        %select_n3A_428 = arith.select %eq3A_424, %select_n3A_427, %select_n3A_409 : vector<16xi1>, vector<16xi32>
        %select_n3A_429 = arith.select %eq3A_424, %broadcast_in_dim3A_12, %broadcast_in_dim3A_10 : vector<16xi1>, vector<16xi32>
        %add3A_430 = arith.addi %add3A_411, %select_n3A_429 : vector<16xi32>
        %scan3A_431 = arith.constant 2 : i32
        %scan3A_432 = arith.addi %scan3A_392, %scan3A_431 : i32
        %mul3A_433 = arith.constant 16 : i32
        %mul3A_434 = arith.muli %scan3A_432, %mul3A_433 : i32
        %get3A_435 = arith.index_cast %mul3A_434 : i32 to index
        %get3A_436 = tpu.vector_load %arg10[%get3A_435] {strides = array<i32>} : memref<100000xi32, #tpu.memory_space<vmem>>, vector<16xi32>,
        %get3A_437 = vector.shape_cast %get3A_436 : vector<16xi32> to vector<16xi32>
        %xor3A_438 = arith.xori %get3A_437, %get3A_4 : vector<16xi32>
        %xor3A_439 = arith.xori %get3A_437, %get3A_7 : vector<16xi32>
        %min3A_440 = arith.minsi %xor3A_438, %xor3A_439 : vector<16xi32>
        %eq3A_441 = arith.constant 0 : i32
        %eq3A_442 = vector.broadcast %eq3A_441 : i32 to vector<16xi32>
        %eq3A_443 = arith.cmpi eq, %min3A_440, %eq3A_442 : vector<16xi32>
        %eq3A_444 = arith.cmpi eq, %add3A_430, %broadcast_in_dim3A_170 : vector<16xi32>
        %broadcast_in_dim3A_445 = vector.broadcast %scan3A_432 : i32 to vector<16xi32>
        %select_n3A_446 = arith.select %eq3A_444, %broadcast_in_dim3A_445, %select_n3A_428 : vector<16xi1>, vector<16xi32>
        %select_n3A_447 = arith.select %eq3A_443, %select_n3A_446, %select_n3A_428 : vector<16xi1>, vector<16xi32>
        %select_n3A_448 = arith.select %eq3A_443, %broadcast_in_dim3A_12, %broadcast_in_dim3A_10 : vector<16xi1>, vector<16xi32>
        %add3A_449 = arith.addi %add3A_430, %select_n3A_448 : vector<16xi32>
        %scan3A_450 = arith.constant 3 : i32
        %scan3A_451 = arith.addi %scan3A_392, %scan3A_450 : i32
        %mul3A_452 = arith.constant 16 : i32
        %mul3A_453 = arith.muli %scan3A_451, %mul3A_452 : i32
        %get3A_454 = arith.index_cast %mul3A_453 : i32 to index
        %get3A_455 = tpu.vector_load %arg10[%get3A_454] {strides = array<i32>} : memref<100000xi32, #tpu.memory_space<vmem>>, vector<16xi32>,
        %get3A_456 = vector.shape_cast %get3A_455 : vector<16xi32> to vector<16xi32>
        %xor3A_457 = arith.xori %get3A_456, %get3A_4 : vector<16xi32>
        %xor3A_458 = arith.xori %get3A_456, %get3A_7 : vector<16xi32>
        %min3A_459 = arith.minsi %xor3A_457, %xor3A_458 : vector<16xi32>
        %eq3A_460 = arith.constant 0 : i32
        %eq3A_461 = vector.broadcast %eq3A_460 : i32 to vector<16xi32>
        %eq3A_462 = arith.cmpi eq, %min3A_459, %eq3A_461 : vector<16xi32>
        %eq3A_463 = arith.cmpi eq, %add3A_449, %broadcast_in_dim3A_170 : vector<16xi32>
        %broadcast_in_dim3A_464 = vector.broadcast %scan3A_451 : i32 to vector<16xi32>
        %select_n3A_465 = arith.select %eq3A_463, %broadcast_in_dim3A_464, %select_n3A_447 : vector<16xi1>, vector<16xi32>
        %select_n3A_466 = arith.select %eq3A_462, %select_n3A_465, %select_n3A_447 : vector<16xi1>, vector<16xi32>
        %select_n3A_467 = arith.select %eq3A_462, %broadcast_in_dim3A_12, %broadcast_in_dim3A_10 : vector<16xi1>, vector<16xi32>
        %add3A_468 = arith.addi %add3A_449, %select_n3A_467 : vector<16xi32>
        %scan3A_469 = arith.constant 4 : i32
        %scan3A_470 = arith.addi %scan3A_392, %scan3A_469 : i32
        %mul3A_471 = arith.constant 16 : i32
        %mul3A_472 = arith.muli %scan3A_470, %mul3A_471 : i32
        %get3A_473 = arith.index_cast %mul3A_472 : i32 to index
        %get3A_474 = tpu.vector_load %arg10[%get3A_473] {strides = array<i32>} : memref<100000xi32, #tpu.memory_space<vmem>>, vector<16xi32>,
        %get3A_475 = vector.shape_cast %get3A_474 : vector<16xi32> to vector<16xi32>
        %xor3A_476 = arith.xori %get3A_475, %get3A_4 : vector<16xi32>
        %xor3A_477 = arith.xori %get3A_475, %get3A_7 : vector<16xi32>
        %min3A_478 = arith.minsi %xor3A_476, %xor3A_477 : vector<16xi32>
        %eq3A_479 = arith.constant 0 : i32
        %eq3A_480 = vector.broadcast %eq3A_479 : i32 to vector<16xi32>
        %eq3A_481 = arith.cmpi eq, %min3A_478, %eq3A_480 : vector<16xi32>
        %eq3A_482 = arith.cmpi eq, %add3A_468, %broadcast_in_dim3A_170 : vector<16xi32>
        %broadcast_in_dim3A_483 = vector.broadcast %scan3A_470 : i32 to vector<16xi32>
        %select_n3A_484 = arith.select %eq3A_482, %broadcast_in_dim3A_483, %select_n3A_466 : vector<16xi1>, vector<16xi32>
        %select_n3A_485 = arith.select %eq3A_481, %select_n3A_484, %select_n3A_466 : vector<16xi1>, vector<16xi32>
        %select_n3A_486 = arith.select %eq3A_481, %broadcast_in_dim3A_12, %broadcast_in_dim3A_10 : vector<16xi1>, vector<16xi32>
        %add3A_487 = arith.addi %add3A_468, %select_n3A_486 : vector<16xi32>
        %scan3A_488 = arith.constant 5 : i32
        %scan3A_489 = arith.addi %scan3A_392, %scan3A_488 : i32
        %mul3A_490 = arith.constant 16 : i32
        %mul3A_491 = arith.muli %scan3A_489, %mul3A_490 : i32
        %get3A_492 = arith.index_cast %mul3A_491 : i32 to index
        %get3A_493 = tpu.vector_load %arg10[%get3A_492] {strides = array<i32>} : memref<100000xi32, #tpu.memory_space<vmem>>, vector<16xi32>,
        %get3A_494 = vector.shape_cast %get3A_493 : vector<16xi32> to vector<16xi32>
        %xor3A_495 = arith.xori %get3A_494, %get3A_4 : vector<16xi32>
        %xor3A_496 = arith.xori %get3A_494, %get3A_7 : vector<16xi32>
        %min3A_497 = arith.minsi %xor3A_495, %xor3A_496 : vector<16xi32>
        %eq3A_498 = arith.constant 0 : i32
        %eq3A_499 = vector.broadcast %eq3A_498 : i32 to vector<16xi32>
        %eq3A_500 = arith.cmpi eq, %min3A_497, %eq3A_499 : vector<16xi32>
        %eq3A_501 = arith.cmpi eq, %add3A_487, %broadcast_in_dim3A_170 : vector<16xi32>
        %broadcast_in_dim3A_502 = vector.broadcast %scan3A_489 : i32 to vector<16xi32>
        %select_n3A_503 = arith.select %eq3A_501, %broadcast_in_dim3A_502, %select_n3A_485 : vector<16xi1>, vector<16xi32>
        %select_n3A_504 = arith.select %eq3A_500, %select_n3A_503, %select_n3A_485 : vector<16xi1>, vector<16xi32>
        %select_n3A_505 = arith.select %eq3A_500, %broadcast_in_dim3A_12, %broadcast_in_dim3A_10 : vector<16xi1>, vector<16xi32>
        %add3A_506 = arith.addi %add3A_487, %select_n3A_505 : vector<16xi32>
        %scan3A_507 = arith.constant 6 : i32
        %scan3A_508 = arith.addi %scan3A_392, %scan3A_507 : i32
        %mul3A_509 = arith.constant 16 : i32
        %mul3A_510 = arith.muli %scan3A_508, %mul3A_509 : i32
        %get3A_511 = arith.index_cast %mul3A_510 : i32 to index
        %get3A_512 = tpu.vector_load %arg10[%get3A_511] {strides = array<i32>} : memref<100000xi32, #tpu.memory_space<vmem>>, vector<16xi32>,
        %get3A_513 = vector.shape_cast %get3A_512 : vector<16xi32> to vector<16xi32>
        %xor3A_514 = arith.xori %get3A_513, %get3A_4 : vector<16xi32>
        %xor3A_515 = arith.xori %get3A_513, %get3A_7 : vector<16xi32>
        %min3A_516 = arith.minsi %xor3A_514, %xor3A_515 : vector<16xi32>
        %eq3A_517 = arith.constant 0 : i32
        %eq3A_518 = vector.broadcast %eq3A_517 : i32 to vector<16xi32>
        %eq3A_519 = arith.cmpi eq, %min3A_516, %eq3A_518 : vector<16xi32>
        %eq3A_520 = arith.cmpi eq, %add3A_506, %broadcast_in_dim3A_170 : vector<16xi32>
        %broadcast_in_dim3A_521 = vector.broadcast %scan3A_508 : i32 to vector<16xi32>
        %select_n3A_522 = arith.select %eq3A_520, %broadcast_in_dim3A_521, %select_n3A_504 : vector<16xi1>, vector<16xi32>
        %select_n3A_523 = arith.select %eq3A_519, %select_n3A_522, %select_n3A_504 : vector<16xi1>, vector<16xi32>
        %select_n3A_524 = arith.select %eq3A_519, %broadcast_in_dim3A_12, %broadcast_in_dim3A_10 : vector<16xi1>, vector<16xi32>
        %add3A_525 = arith.addi %add3A_506, %select_n3A_524 : vector<16xi32>
        %scan3A_526 = arith.constant 7 : i32
        %scan3A_527 = arith.addi %scan3A_392, %scan3A_526 : i32
        %mul3A_528 = arith.constant 16 : i32
        %mul3A_529 = arith.muli %scan3A_527, %mul3A_528 : i32
        %get3A_530 = arith.index_cast %mul3A_529 : i32 to index
        %get3A_531 = tpu.vector_load %arg10[%get3A_530] {strides = array<i32>} : memref<100000xi32, #tpu.memory_space<vmem>>, vector<16xi32>,
        %get3A_532 = vector.shape_cast %get3A_531 : vector<16xi32> to vector<16xi32>
        %xor3A_533 = arith.xori %get3A_532, %get3A_4 : vector<16xi32>
        %xor3A_534 = arith.xori %get3A_532, %get3A_7 : vector<16xi32>
        %min3A_535 = arith.minsi %xor3A_533, %xor3A_534 : vector<16xi32>
        %eq3A_536 = arith.constant 0 : i32
        %eq3A_537 = vector.broadcast %eq3A_536 : i32 to vector<16xi32>
        %eq3A_538 = arith.cmpi eq, %min3A_535, %eq3A_537 : vector<16xi32>
        %eq3A_539 = arith.cmpi eq, %add3A_525, %broadcast_in_dim3A_170 : vector<16xi32>
        %broadcast_in_dim3A_540 = vector.broadcast %scan3A_527 : i32 to vector<16xi32>
        %select_n3A_541 = arith.select %eq3A_539, %broadcast_in_dim3A_540, %select_n3A_523 : vector<16xi1>, vector<16xi32>
        %select_n3A_542 = arith.select %eq3A_538, %select_n3A_541, %select_n3A_523 : vector<16xi1>, vector<16xi32>
        %select_n3A_543 = arith.select %eq3A_538, %broadcast_in_dim3A_12, %broadcast_in_dim3A_10 : vector<16xi1>, vector<16xi32>
        %add3A_544 = arith.addi %add3A_525, %select_n3A_543 : vector<16xi32>
        scf.yield %select_n3A_542, %add3A_544 : vector<16xi32>, vector<16xi32>
      }
      %scan3A_178 = arith.constant 6248 : i32
      %scan3A_179 = arith.addi %scan3A_173, %scan3A_178 : i32
      %mul3A_180 = arith.constant 16 : i32
      %mul3A_181 = arith.muli %scan3A_179, %mul3A_180 : i32
      %get3A_182 = arith.index_cast %mul3A_181 : i32 to index
      %get3A_183 = tpu.vector_load %arg10[%get3A_182] {strides = array<i32>} : memref<100000xi32, #tpu.memory_space<vmem>>, vector<16xi32>,
      %get3A_184 = vector.shape_cast %get3A_183 : vector<16xi32> to vector<16xi32>
      %xor3A_185 = arith.xori %get3A_184, %get3A_4 : vector<16xi32>
      %xor3A_186 = arith.xori %get3A_184, %get3A_7 : vector<16xi32>
      %min3A_187 = arith.minsi %xor3A_185, %xor3A_186 : vector<16xi32>
      %eq3A_188 = arith.constant 0 : i32
      %eq3A_189 = vector.broadcast %eq3A_188 : i32 to vector<16xi32>
      %eq3A_190 = arith.cmpi eq, %min3A_187, %eq3A_189 : vector<16xi32>
      %eq3A_191 = arith.cmpi eq, %scan3A_177#1, %broadcast_in_dim3A_170 : vector<16xi32>
      %broadcast_in_dim3A_192 = vector.broadcast %scan3A_179 : i32 to vector<16xi32>
      %select_n3A_193 = arith.select %eq3A_191, %broadcast_in_dim3A_192, %scan3A_177#0 : vector<16xi1>, vector<16xi32>
      %select_n3A_194 = arith.select %eq3A_190, %select_n3A_193, %scan3A_177#0 : vector<16xi1>, vector<16xi32>
      %select_n3A_195 = arith.select %eq3A_190, %broadcast_in_dim3A_12, %broadcast_in_dim3A_10 : vector<16xi1>, vector<16xi32>
      %add3A_196 = arith.addi %scan3A_177#1, %select_n3A_195 : vector<16xi32>
      %scan3A_197 = arith.constant 6249 : i32
      %scan3A_198 = arith.addi %scan3A_173, %scan3A_197 : i32
      %mul3A_199 = arith.constant 16 : i32
      %mul3A_200 = arith.muli %scan3A_198, %mul3A_199 : i32
      %get3A_201 = arith.index_cast %mul3A_200 : i32 to index
      %get3A_202 = tpu.vector_load %arg10[%get3A_201] {strides = array<i32>} : memref<100000xi32, #tpu.memory_space<vmem>>, vector<16xi32>,
      %get3A_203 = vector.shape_cast %get3A_202 : vector<16xi32> to vector<16xi32>
      %xor3A_204 = arith.xori %get3A_203, %get3A_4 : vector<16xi32>
      %xor3A_205 = arith.xori %get3A_203, %get3A_7 : vector<16xi32>
      %min3A_206 = arith.minsi %xor3A_204, %xor3A_205 : vector<16xi32>
      %eq3A_207 = arith.constant 0 : i32
      %eq3A_208 = vector.broadcast %eq3A_207 : i32 to vector<16xi32>
      %eq3A_209 = arith.cmpi eq, %min3A_206, %eq3A_208 : vector<16xi32>
      %eq3A_210 = arith.cmpi eq, %add3A_196, %broadcast_in_dim3A_170 : vector<16xi32>
      %broadcast_in_dim3A_211 = vector.broadcast %scan3A_198 : i32 to vector<16xi32>
      %select_n3A_212 = arith.select %eq3A_210, %broadcast_in_dim3A_211, %select_n3A_194 : vector<16xi1>, vector<16xi32>
      %select_n3A_213 = arith.select %eq3A_209, %select_n3A_212, %select_n3A_194 : vector<16xi1>, vector<16xi32>
      %select_n3A_214 = arith.select %eq3A_209, %broadcast_in_dim3A_12, %broadcast_in_dim3A_10 : vector<16xi1>, vector<16xi32>
      %add3A_215 = arith.addi %add3A_196, %select_n3A_214 : vector<16xi32>
      %scan3A_216 = arith.constant 6250 : i32
      %gt3A_217 = vector.broadcast %add3A_169 : i32 to vector<16xi32>
      %gt3A_218 = arith.cmpi sgt, %add3A_215, %gt3A_217 : vector<16xi32>
      %mul3A_219 = arith.constant 16 : i32
      %mul3A_220 = vector.broadcast %mul3A_219 : i32 to vector<16xi32>
      %mul3A_221 = arith.muli %select_n3A_213, %mul3A_220 : vector<16xi32>
      %add3A_222 = arith.addi %mul3A_221, %iota3A : vector<16xi32>
      %select_n3A_223 = arith.select %gt3A_218, %add3A_222, %broadcast_in_dim3A_10 : vector<16xi1>, vector<16xi32>
      %add3A_224 = vector.broadcast %mul3A_2 : i32 to vector<16xi32>
      %add3A_225 = arith.addi %select_n3A_223, %add3A_224 : vector<16xi32>
      %select_n3A_226 = arith.select %gt3A_218, %add3A_225, %broadcast_in_dim3A_10 : vector<16xi1>, vector<16xi32>
      %dma_start3A = arith.constant 0 : i32
      %dma_start3A_227 = tpu.memref_slice %arg3[%dma_start3A] : memref<3200000xi32, #tpu.memory_space<hbm>> -> memref<3200000xi32, #tpu.memory_space<hbm>>
      tpu.enqueue_indirect_dma source(%dma_start3A_227 : memref<3200000xi32, #tpu.memory_space<hbm>>) target(%arg13 : memref<16xi32, #tpu.memory_space<vmem>>) offsets(%select_n3A_226 : vector<16xi32>) semaphore(%arg17 : memref<!tpu.dma_semaphore, #tpu.memory_space<semaphore_mem>>)
      %add3A_228 = vector.broadcast %mul3A_2 : i32 to vector<16xi32>
      %add3A_229 = arith.addi %select_n3A_223, %add3A_228 : vector<16xi32>
      %select_n3A_230 = arith.select %gt3A_218, %add3A_229, %broadcast_in_dim3A_10 : vector<16xi1>, vector<16xi32>
      %dma_start3A_231 = arith.constant 0 : i32
      %dma_start3A_232 = tpu.memref_slice %arg2[%dma_start3A_231] : memref<3200000xi32, #tpu.memory_space<hbm>> -> memref<3200000xi32, #tpu.memory_space<hbm>>
      tpu.enqueue_indirect_dma source(%dma_start3A_232 : memref<3200000xi32, #tpu.memory_space<hbm>>) target(%arg14 : memref<16xi32, #tpu.memory_space<vmem>>) offsets(%select_n3A_230 : vector<16xi32>) semaphore(%arg17 : memref<!tpu.dma_semaphore, #tpu.memory_space<semaphore_mem>>)
      %dma_wait3A = arith.constant 0 : i32
      %dma_wait3A_233 = tpu.memref_slice %arg3[%dma_wait3A] : memref<3200000xi32, #tpu.memory_space<hbm>> -> memref<3200000xi32, #tpu.memory_space<hbm>>
      tpu.wait_indirect_dma semaphore(%arg17 : memref<!tpu.dma_semaphore, #tpu.memory_space<semaphore_mem>>) src(%dma_wait3A_233 : memref<3200000xi32, #tpu.memory_space<hbm>>) dst(%arg13 : memref<16xi32, #tpu.memory_space<vmem>>)
      %dma_wait3A_234 = arith.constant 0 : i32
      %dma_wait3A_235 = tpu.memref_slice %arg2[%dma_wait3A_234] : memref<3200000xi32, #tpu.memory_space<hbm>> -> memref<3200000xi32, #tpu.memory_space<hbm>>
      tpu.wait_indirect_dma semaphore(%arg17 : memref<!tpu.dma_semaphore, #tpu.memory_space<semaphore_mem>>) src(%dma_wait3A_235 : memref<3200000xi32, #tpu.memory_space<hbm>>) dst(%arg14 : memref<16xi32, #tpu.memory_space<vmem>>)
      %get3A_236 = arith.constant 0 : index
      %get3A_237 = tpu.vector_load %arg14[%get3A_236] {strides = array<i32>} : memref<16xi32, #tpu.memory_space<vmem>>, vector<16xi32>,
      %get3A_238 = vector.shape_cast %get3A_237 : vector<16xi32> to vector<16xi32>
      %broadcast_in_dim3A_239 = arith.constant -1 : i32
      %broadcast_in_dim3A_240 = vector.broadcast %broadcast_in_dim3A_239 : i32 to vector<16xi32>
      %select_n3A_241 = arith.select %gt3A_218, %get3A_238, %broadcast_in_dim3A_240 : vector<16xi1>, vector<16xi32>
      %get3A_242 = arith.constant 0 : index
      %get3A_243 = tpu.vector_load %arg13[%get3A_242] {strides = array<i32>} : memref<16xi32, #tpu.memory_space<vmem>>, vector<16xi32>,
      %get3A_244 = vector.shape_cast %get3A_243 : vector<16xi32> to vector<16xi32>
      %select_n3A_245 = arith.select %gt3A_218, %get3A_244, %broadcast_in_dim3A_10 : vector<16xi1>, vector<16xi32>
      %dma_start3A_246 = arith.constant 0 : i32
      %dma_start3A_247 = arith.constant 0 : i32
      %dma_start3A_248 = tpu.memref_slice %arg15[%dma_start3A_246, %dma_start3A_247] : memref<3x16xf32, #tpu.memory_space<vmem>> -> memref<1x16xf32, #tpu.memory_space<vmem>>
      %dma_start3A_249 = tpu.memref_squeeze %dma_start3A_248 : memref<1x16xf32, #tpu.memory_space<vmem>> -> memref<16xf32, #tpu.memory_space<vmem>>
      %dma_start3A_250 = arith.constant 0 : i32
      %dma_start3A_251 = tpu.memref_slice %arg4[%dma_start3A_250] : memref<100000xf32, #tpu.memory_space<hbm>> -> memref<100000xf32, #tpu.memory_space<hbm>>
      tpu.enqueue_indirect_dma source(%dma_start3A_251 : memref<100000xf32, #tpu.memory_space<hbm>>) target(%dma_start3A_249 : memref<16xf32, #tpu.memory_space<vmem>>) offsets(%select_n3A_245 : vector<16xi32>) semaphore(%arg17 : memref<!tpu.dma_semaphore, #tpu.memory_space<semaphore_mem>>)
      %dma_start3A_252 = arith.constant 1 : i32
      %dma_start3A_253 = arith.constant 0 : i32
      %dma_start3A_254 = tpu.memref_slice %arg15[%dma_start3A_252, %dma_start3A_253] : memref<3x16xf32, #tpu.memory_space<vmem>> -> memref<1x16xf32, #tpu.memory_space<vmem>>
      %dma_start3A_255 = tpu.memref_squeeze %dma_start3A_254 : memref<1x16xf32, #tpu.memory_space<vmem>> -> memref<16xf32, #tpu.memory_space<vmem>>
      %dma_start3A_256 = arith.constant 0 : i32
      %dma_start3A_257 = tpu.memref_slice %arg5[%dma_start3A_256] : memref<100000xf32, #tpu.memory_space<hbm>> -> memref<100000xf32, #tpu.memory_space<hbm>>
      tpu.enqueue_indirect_dma source(%dma_start3A_257 : memref<100000xf32, #tpu.memory_space<hbm>>) target(%dma_start3A_255 : memref<16xf32, #tpu.memory_space<vmem>>) offsets(%select_n3A_245 : vector<16xi32>) semaphore(%arg17 : memref<!tpu.dma_semaphore, #tpu.memory_space<semaphore_mem>>)
      %dma_start3A_258 = arith.constant 2 : i32
      %dma_start3A_259 = arith.constant 0 : i32
      %dma_start3A_260 = tpu.memref_slice %arg15[%dma_start3A_258, %dma_start3A_259] : memref<3x16xf32, #tpu.memory_space<vmem>> -> memref<1x16xf32, #tpu.memory_space<vmem>>
      %dma_start3A_261 = tpu.memref_squeeze %dma_start3A_260 : memref<1x16xf32, #tpu.memory_space<vmem>> -> memref<16xf32, #tpu.memory_space<vmem>>
      %dma_start3A_262 = arith.constant 0 : i32
      %dma_start3A_263 = tpu.memref_slice %arg6[%dma_start3A_262] : memref<100000xf32, #tpu.memory_space<hbm>> -> memref<100000xf32, #tpu.memory_space<hbm>>
      tpu.enqueue_indirect_dma source(%dma_start3A_263 : memref<100000xf32, #tpu.memory_space<hbm>>) target(%dma_start3A_261 : memref<16xf32, #tpu.memory_space<vmem>>) offsets(%select_n3A_245 : vector<16xi32>) semaphore(%arg17 : memref<!tpu.dma_semaphore, #tpu.memory_space<semaphore_mem>>)
      %dma_wait3A_264 = arith.constant 0 : i32
      %dma_wait3A_265 = arith.constant 0 : i32
      %dma_wait3A_266 = tpu.memref_slice %arg15[%dma_wait3A_264, %dma_wait3A_265] : memref<3x16xf32, #tpu.memory_space<vmem>> -> memref<1x16xf32, #tpu.memory_space<vmem>>
      %dma_wait3A_267 = tpu.memref_squeeze %dma_wait3A_266 : memref<1x16xf32, #tpu.memory_space<vmem>> -> memref<16xf32, #tpu.memory_space<vmem>>
      %dma_wait3A_268 = arith.constant 0 : i32
      %dma_wait3A_269 = tpu.memref_slice %arg4[%dma_wait3A_268] : memref<100000xf32, #tpu.memory_space<hbm>> -> memref<100000xf32, #tpu.memory_space<hbm>>
      tpu.wait_indirect_dma semaphore(%arg17 : memref<!tpu.dma_semaphore, #tpu.memory_space<semaphore_mem>>) src(%dma_wait3A_269 : memref<100000xf32, #tpu.memory_space<hbm>>) dst(%dma_wait3A_267 : memref<16xf32, #tpu.memory_space<vmem>>)
      %dma_wait3A_270 = arith.constant 1 : i32
      %dma_wait3A_271 = arith.constant 0 : i32
      %dma_wait3A_272 = tpu.memref_slice %arg15[%dma_wait3A_270, %dma_wait3A_271] : memref<3x16xf32, #tpu.memory_space<vmem>> -> memref<1x16xf32, #tpu.memory_space<vmem>>
      %dma_wait3A_273 = tpu.memref_squeeze %dma_wait3A_272 : memref<1x16xf32, #tpu.memory_space<vmem>> -> memref<16xf32, #tpu.memory_space<vmem>>
      %dma_wait3A_274 = arith.constant 0 : i32
      %dma_wait3A_275 = tpu.memref_slice %arg5[%dma_wait3A_274] : memref<100000xf32, #tpu.memory_space<hbm>> -> memref<100000xf32, #tpu.memory_space<hbm>>
      tpu.wait_indirect_dma semaphore(%arg17 : memref<!tpu.dma_semaphore, #tpu.memory_space<semaphore_mem>>) src(%dma_wait3A_275 : memref<100000xf32, #tpu.memory_space<hbm>>) dst(%dma_wait3A_273 : memref<16xf32, #tpu.memory_space<vmem>>)
      %dma_wait3A_276 = arith.constant 2 : i32
      %dma_wait3A_277 = arith.constant 0 : i32
      %dma_wait3A_278 = tpu.memref_slice %arg15[%dma_wait3A_276, %dma_wait3A_277] : memref<3x16xf32, #tpu.memory_space<vmem>> -> memref<1x16xf32, #tpu.memory_space<vmem>>
      %dma_wait3A_279 = tpu.memref_squeeze %dma_wait3A_278 : memref<1x16xf32, #tpu.memory_space<vmem>> -> memref<16xf32, #tpu.memory_space<vmem>>
      %dma_wait3A_280 = arith.constant 0 : i32
      %dma_wait3A_281 = tpu.memref_slice %arg6[%dma_wait3A_280] : memref<100000xf32, #tpu.memory_space<hbm>> -> memref<100000xf32, #tpu.memory_space<hbm>>
      tpu.wait_indirect_dma semaphore(%arg17 : memref<!tpu.dma_semaphore, #tpu.memory_space<semaphore_mem>>) src(%dma_wait3A_281 : memref<100000xf32, #tpu.memory_space<hbm>>) dst(%dma_wait3A_279 : memref<16xf32, #tpu.memory_space<vmem>>)
      %eq3A_282 = arith.cmpi eq, %select_n3A_241, %get3A_4 : vector<16xi32>
      %eq3A_283 = arith.cmpi eq, %select_n3A_241, %get3A_7 : vector<16xi32>
      %get3A_284 = arith.constant 0 : i32
      %get3A_285 = arith.index_cast %get3A_284 : i32 to index
      %get3A_286 = arith.constant 0 : index
      %get3A_287 = tpu.vector_load %arg16[%get3A_285, %get3A_286] {strides = array<i32>} : memref<8x16xf32, #tpu.memory_space<vmem>>, vector<1x16xf32>,
      %get3A_288 = vector.shape_cast %get3A_287 : vector<1x16xf32> to vector<16xf32>
      %get3A_289 = arith.constant 0 : i32
      %get3A_290 = arith.index_cast %get3A_289 : i32 to index
      %get3A_291 = arith.constant 0 : index
      %get3A_292 = tpu.vector_load %arg15[%get3A_290, %get3A_291] {strides = array<i32>} : memref<3x16xf32, #tpu.memory_space<vmem>>, vector<1x16xf32>,
      %get3A_293 = vector.shape_cast %get3A_292 : vector<1x16xf32> to vector<16xf32>
      %select_n3A_294 = arith.select %eq3A_282, %get3A_293, %broadcast_in_dim3A_8 : vector<16xi1>, vector<16xf32>
      %add3A_295 = arith.addf %get3A_288, %select_n3A_294 : vector<16xf32>
      %swap3A_296 = arith.constant 0 : i32
      %swap3A_297 = arith.index_cast %swap3A_296 : i32 to index
      %swap3A_298 = arith.constant 0 : index
      %swap3A_299 = tpu.vector_load %arg16[%swap3A_297, %swap3A_298] {strides = array<i32>} : memref<8x16xf32, #tpu.memory_space<vmem>>, vector<1x16xf32>,
      %swap3A_300 = vector.shape_cast %swap3A_299 : vector<1x16xf32> to vector<16xf32>
      %swap3A_301 = vector.shape_cast %add3A_295 : vector<16xf32> to vector<1x16xf32>
      tpu.vector_store %arg16[%swap3A_297, %swap3A_298], %swap3A_301 {strides = array<i32>} : memref<8x16xf32, #tpu.memory_space<vmem>>, vector<1x16xf32>,
      %get3A_302 = arith.constant 3 : i32
      %get3A_303 = arith.index_cast %get3A_302 : i32 to index
      %get3A_304 = arith.constant 0 : index
      %get3A_305 = tpu.vector_load %arg16[%get3A_303, %get3A_304] {strides = array<i32>} : memref<8x16xf32, #tpu.memory_space<vmem>>, vector<1x16xf32>,
      %get3A_306 = vector.shape_cast %get3A_305 : vector<1x16xf32> to vector<16xf32>
      %get3A_307 = arith.constant 0 : i32
      %get3A_308 = arith.index_cast %get3A_307 : i32 to index
      %get3A_309 = arith.constant 0 : index
      %get3A_310 = tpu.vector_load %arg15[%get3A_308, %get3A_309] {strides = array<i32>} : memref<3x16xf32, #tpu.memory_space<vmem>>, vector<1x16xf32>,
      %get3A_311 = vector.shape_cast %get3A_310 : vector<1x16xf32> to vector<16xf32>
      %select_n3A_312 = arith.select %eq3A_283, %get3A_311, %broadcast_in_dim3A_8 : vector<16xi1>, vector<16xf32>
      %add3A_313 = arith.addf %get3A_306, %select_n3A_312 : vector<16xf32>
      %swap3A_314 = arith.constant 3 : i32
      %swap3A_315 = arith.index_cast %swap3A_314 : i32 to index
      %swap3A_316 = arith.constant 0 : index
      %swap3A_317 = tpu.vector_load %arg16[%swap3A_315, %swap3A_316] {strides = array<i32>} : memref<8x16xf32, #tpu.memory_space<vmem>>, vector<1x16xf32>,
      %swap3A_318 = vector.shape_cast %swap3A_317 : vector<1x16xf32> to vector<16xf32>
      %swap3A_319 = vector.shape_cast %add3A_313 : vector<16xf32> to vector<1x16xf32>
      tpu.vector_store %arg16[%swap3A_315, %swap3A_316], %swap3A_319 {strides = array<i32>} : memref<8x16xf32, #tpu.memory_space<vmem>>, vector<1x16xf32>,
      %get3A_320 = arith.constant 1 : i32
      %get3A_321 = arith.index_cast %get3A_320 : i32 to index
      %get3A_322 = arith.constant 0 : index
      %get3A_323 = tpu.vector_load %arg16[%get3A_321, %get3A_322] {strides = array<i32>} : memref<8x16xf32, #tpu.memory_space<vmem>>, vector<1x16xf32>,
      %get3A_324 = vector.shape_cast %get3A_323 : vector<1x16xf32> to vector<16xf32>
      %get3A_325 = arith.constant 1 : i32
      %get3A_326 = arith.index_cast %get3A_325 : i32 to index
      %get3A_327 = arith.constant 0 : index
      %get3A_328 = tpu.vector_load %arg15[%get3A_326, %get3A_327] {strides = array<i32>} : memref<3x16xf32, #tpu.memory_space<vmem>>, vector<1x16xf32>,
      %get3A_329 = vector.shape_cast %get3A_328 : vector<1x16xf32> to vector<16xf32>
      %select_n3A_330 = arith.select %eq3A_282, %get3A_329, %broadcast_in_dim3A_8 : vector<16xi1>, vector<16xf32>
      %add3A_331 = arith.addf %get3A_324, %select_n3A_330 : vector<16xf32>
      %swap3A_332 = arith.constant 1 : i32
      %swap3A_333 = arith.index_cast %swap3A_332 : i32 to index
      %swap3A_334 = arith.constant 0 : index
      %swap3A_335 = tpu.vector_load %arg16[%swap3A_333, %swap3A_334] {strides = array<i32>} : memref<8x16xf32, #tpu.memory_space<vmem>>, vector<1x16xf32>,
      %swap3A_336 = vector.shape_cast %swap3A_335 : vector<1x16xf32> to vector<16xf32>
      %swap3A_337 = vector.shape_cast %add3A_331 : vector<16xf32> to vector<1x16xf32>
      tpu.vector_store %arg16[%swap3A_333, %swap3A_334], %swap3A_337 {strides = array<i32>} : memref<8x16xf32, #tpu.memory_space<vmem>>, vector<1x16xf32>,
      %get3A_338 = arith.constant 4 : i32
      %get3A_339 = arith.index_cast %get3A_338 : i32 to index
      %get3A_340 = arith.constant 0 : index
      %get3A_341 = tpu.vector_load %arg16[%get3A_339, %get3A_340] {strides = array<i32>} : memref<8x16xf32, #tpu.memory_space<vmem>>, vector<1x16xf32>,
      %get3A_342 = vector.shape_cast %get3A_341 : vector<1x16xf32> to vector<16xf32>
      %get3A_343 = arith.constant 1 : i32
      %get3A_344 = arith.index_cast %get3A_343 : i32 to index
      %get3A_345 = arith.constant 0 : index
      %get3A_346 = tpu.vector_load %arg15[%get3A_344, %get3A_345] {strides = array<i32>} : memref<3x16xf32, #tpu.memory_space<vmem>>, vector<1x16xf32>,
      %get3A_347 = vector.shape_cast %get3A_346 : vector<1x16xf32> to vector<16xf32>
      %select_n3A_348 = arith.select %eq3A_283, %get3A_347, %broadcast_in_dim3A_8 : vector<16xi1>, vector<16xf32>
      %add3A_349 = arith.addf %get3A_342, %select_n3A_348 : vector<16xf32>
      %swap3A_350 = arith.constant 4 : i32
      %swap3A_351 = arith.index_cast %swap3A_350 : i32 to index
      %swap3A_352 = arith.constant 0 : index
      %swap3A_353 = tpu.vector_load %arg16[%swap3A_351, %swap3A_352] {strides = array<i32>} : memref<8x16xf32, #tpu.memory_space<vmem>>, vector<1x16xf32>,
      %swap3A_354 = vector.shape_cast %swap3A_353 : vector<1x16xf32> to vector<16xf32>
      %swap3A_355 = vector.shape_cast %add3A_349 : vector<16xf32> to vector<1x16xf32>
      tpu.vector_store %arg16[%swap3A_351, %swap3A_352], %swap3A_355 {strides = array<i32>} : memref<8x16xf32, #tpu.memory_space<vmem>>, vector<1x16xf32>,
      %get3A_356 = arith.constant 2 : i32
      %get3A_357 = arith.index_cast %get3A_356 : i32 to index
      %get3A_358 = arith.constant 0 : index
      %get3A_359 = tpu.vector_load %arg16[%get3A_357, %get3A_358] {strides = array<i32>} : memref<8x16xf32, #tpu.memory_space<vmem>>, vector<1x16xf32>,
      %get3A_360 = vector.shape_cast %get3A_359 : vector<1x16xf32> to vector<16xf32>
      %get3A_361 = arith.constant 2 : i32
      %get3A_362 = arith.index_cast %get3A_361 : i32 to index
      %get3A_363 = arith.constant 0 : index
      %get3A_364 = tpu.vector_load %arg15[%get3A_362, %get3A_363] {strides = array<i32>} : memref<3x16xf32, #tpu.memory_space<vmem>>, vector<1x16xf32>,
      %get3A_365 = vector.shape_cast %get3A_364 : vector<1x16xf32> to vector<16xf32>
      %select_n3A_366 = arith.select %eq3A_282, %get3A_365, %broadcast_in_dim3A_8 : vector<16xi1>, vector<16xf32>
      %add3A_367 = arith.addf %get3A_360, %select_n3A_366 : vector<16xf32>
      %swap3A_368 = arith.constant 2 : i32
      %swap3A_369 = arith.index_cast %swap3A_368 : i32 to index
      %swap3A_370 = arith.constant 0 : index
      %swap3A_371 = tpu.vector_load %arg16[%swap3A_369, %swap3A_370] {strides = array<i32>} : memref<8x16xf32, #tpu.memory_space<vmem>>, vector<1x16xf32>,
      %swap3A_372 = vector.shape_cast %swap3A_371 : vector<1x16xf32> to vector<16xf32>
      %swap3A_373 = vector.shape_cast %add3A_367 : vector<16xf32> to vector<1x16xf32>
      tpu.vector_store %arg16[%swap3A_369, %swap3A_370], %swap3A_373 {strides = array<i32>} : memref<8x16xf32, #tpu.memory_space<vmem>>, vector<1x16xf32>,
      %get3A_374 = arith.constant 5 : i32
      %get3A_375 = arith.index_cast %get3A_374 : i32 to index
      %get3A_376 = arith.constant 0 : index
      %get3A_377 = tpu.vector_load %arg16[%get3A_375, %get3A_376] {strides = array<i32>} : memref<8x16xf32, #tpu.memory_space<vmem>>, vector<1x16xf32>,
      %get3A_378 = vector.shape_cast %get3A_377 : vector<1x16xf32> to vector<16xf32>
      %get3A_379 = arith.constant 2 : i32
      %get3A_380 = arith.index_cast %get3A_379 : i32 to index
      %get3A_381 = arith.constant 0 : index
      %get3A_382 = tpu.vector_load %arg15[%get3A_380, %get3A_381] {strides = array<i32>} : memref<3x16xf32, #tpu.memory_space<vmem>>, vector<1x16xf32>,
      %get3A_383 = vector.shape_cast %get3A_382 : vector<1x16xf32> to vector<16xf32>
      %select_n3A_384 = arith.select %eq3A_283, %get3A_383, %broadcast_in_dim3A_8 : vector<16xi1>, vector<16xf32>
      %add3A_385 = arith.addf %get3A_378, %select_n3A_384 : vector<16xf32>
      %swap3A_386 = arith.constant 5 : i32
      %swap3A_387 = arith.index_cast %swap3A_386 : i32 to index
      %swap3A_388 = arith.constant 0 : index
      %swap3A_389 = tpu.vector_load %arg16[%swap3A_387, %swap3A_388] {strides = array<i32>} : memref<8x16xf32, #tpu.memory_space<vmem>>, vector<1x16xf32>,
      %swap3A_390 = vector.shape_cast %swap3A_389 : vector<1x16xf32> to vector<16xf32>
      %swap3A_391 = vector.shape_cast %add3A_385 : vector<16xf32> to vector<1x16xf32>
      tpu.vector_store %arg16[%swap3A_387, %swap3A_388], %swap3A_391 {strides = array<i32>} : memref<8x16xf32, #tpu.memory_space<vmem>>, vector<1x16xf32>,
    }
    %while3A_166 = arith.constant 1 : i32
    scf.for %while3A_167 = %while3A_164 to %while3A_160 step %while3A_166  : i32 {
      %mul3A_168 = arith.muli %while3A_167, %while3A : i32
      %add3A_169 = arith.addi %while3A_157, %mul3A_168 : i32
      %broadcast_in_dim3A_170 = vector.broadcast %add3A_169 : i32 to vector<16xi32>
      %broadcast_in_dim3A_171 = arith.constant -1 : i32
      %broadcast_in_dim3A_172 = vector.broadcast %broadcast_in_dim3A_171 : i32 to vector<16xi32>
      %scan3A_173 = arith.constant 0 : i32
      %scan3A_174 = arith.constant 6248 : i32
      %scan3A_175 = arith.addi %scan3A_173, %scan3A_174 : i32
      %scan3A_176 = arith.constant 8 : i32
      %scan3A_177:2 = scf.for %scan3A_392 = %scan3A_173 to %scan3A_175 step %scan3A_176 iter_args(%scan3A_393 = %broadcast_in_dim3A_172, %scan3A_394 = %broadcast_in_dim3A_10) -> (vector<16xi32>, vector<16xi32>)  : i32 {
        %mul3A_395 = arith.constant 16 : i32
        %mul3A_396 = arith.muli %scan3A_392, %mul3A_395 : i32
        %get3A_397 = arith.index_cast %mul3A_396 : i32 to index
        %get3A_398 = tpu.vector_load %arg10[%get3A_397] {strides = array<i32>} : memref<100000xi32, #tpu.memory_space<vmem>>, vector<16xi32>,
        %get3A_399 = vector.shape_cast %get3A_398 : vector<16xi32> to vector<16xi32>
        %xor3A_400 = arith.xori %get3A_399, %get3A_4 : vector<16xi32>
        %xor3A_401 = arith.xori %get3A_399, %get3A_7 : vector<16xi32>
        %min3A_402 = arith.minsi %xor3A_400, %xor3A_401 : vector<16xi32>
        %eq3A_403 = arith.constant 0 : i32
        %eq3A_404 = vector.broadcast %eq3A_403 : i32 to vector<16xi32>
        %eq3A_405 = arith.cmpi eq, %min3A_402, %eq3A_404 : vector<16xi32>
        %eq3A_406 = arith.cmpi eq, %scan3A_394, %broadcast_in_dim3A_170 : vector<16xi32>
        %broadcast_in_dim3A_407 = vector.broadcast %scan3A_392 : i32 to vector<16xi32>
        %select_n3A_408 = arith.select %eq3A_406, %broadcast_in_dim3A_407, %scan3A_393 : vector<16xi1>, vector<16xi32>
        %select_n3A_409 = arith.select %eq3A_405, %select_n3A_408, %scan3A_393 : vector<16xi1>, vector<16xi32>
        %select_n3A_410 = arith.select %eq3A_405, %broadcast_in_dim3A_12, %broadcast_in_dim3A_10 : vector<16xi1>, vector<16xi32>
        %add3A_411 = arith.addi %scan3A_394, %select_n3A_410 : vector<16xi32>
        %scan3A_412 = arith.constant 1 : i32
        %scan3A_413 = arith.addi %scan3A_392, %scan3A_412 : i32
        %mul3A_414 = arith.constant 16 : i32
        %mul3A_415 = arith.muli %scan3A_413, %mul3A_414 : i32
        %get3A_416 = arith.index_cast %mul3A_415 : i32 to index
        %get3A_417 = tpu.vector_load %arg10[%get3A_416] {strides = array<i32>} : memref<100000xi32, #tpu.memory_space<vmem>>, vector<16xi32>,
        %get3A_418 = vector.shape_cast %get3A_417 : vector<16xi32> to vector<16xi32>
        %xor3A_419 = arith.xori %get3A_418, %get3A_4 : vector<16xi32>
        %xor3A_420 = arith.xori %get3A_418, %get3A_7 : vector<16xi32>
        %min3A_421 = arith.minsi %xor3A_419, %xor3A_420 : vector<16xi32>
        %eq3A_422 = arith.constant 0 : i32
        %eq3A_423 = vector.broadcast %eq3A_422 : i32 to vector<16xi32>
        %eq3A_424 = arith.cmpi eq, %min3A_421, %eq3A_423 : vector<16xi32>
        %eq3A_425 = arith.cmpi eq, %add3A_411, %broadcast_in_dim3A_170 : vector<16xi32>
        %broadcast_in_dim3A_426 = vector.broadcast %scan3A_413 : i32 to vector<16xi32>
        %select_n3A_427 = arith.select %eq3A_425, %broadcast_in_dim3A_426, %select_n3A_409 : vector<16xi1>, vector<16xi32>
        %select_n3A_428 = arith.select %eq3A_424, %select_n3A_427, %select_n3A_409 : vector<16xi1>, vector<16xi32>
        %select_n3A_429 = arith.select %eq3A_424, %broadcast_in_dim3A_12, %broadcast_in_dim3A_10 : vector<16xi1>, vector<16xi32>
        %add3A_430 = arith.addi %add3A_411, %select_n3A_429 : vector<16xi32>
        %scan3A_431 = arith.constant 2 : i32
        %scan3A_432 = arith.addi %scan3A_392, %scan3A_431 : i32
        %mul3A_433 = arith.constant 16 : i32
        %mul3A_434 = arith.muli %scan3A_432, %mul3A_433 : i32
        %get3A_435 = arith.index_cast %mul3A_434 : i32 to index
        %get3A_436 = tpu.vector_load %arg10[%get3A_435] {strides = array<i32>} : memref<100000xi32, #tpu.memory_space<vmem>>, vector<16xi32>,
        %get3A_437 = vector.shape_cast %get3A_436 : vector<16xi32> to vector<16xi32>
        %xor3A_438 = arith.xori %get3A_437, %get3A_4 : vector<16xi32>
        %xor3A_439 = arith.xori %get3A_437, %get3A_7 : vector<16xi32>
        %min3A_440 = arith.minsi %xor3A_438, %xor3A_439 : vector<16xi32>
        %eq3A_441 = arith.constant 0 : i32
        %eq3A_442 = vector.broadcast %eq3A_441 : i32 to vector<16xi32>
        %eq3A_443 = arith.cmpi eq, %min3A_440, %eq3A_442 : vector<16xi32>
        %eq3A_444 = arith.cmpi eq, %add3A_430, %broadcast_in_dim3A_170 : vector<16xi32>
        %broadcast_in_dim3A_445 = vector.broadcast %scan3A_432 : i32 to vector<16xi32>
        %select_n3A_446 = arith.select %eq3A_444, %broadcast_in_dim3A_445, %select_n3A_428 : vector<16xi1>, vector<16xi32>
        %select_n3A_447 = arith.select %eq3A_443, %select_n3A_446, %select_n3A_428 : vector<16xi1>, vector<16xi32>
        %select_n3A_448 = arith.select %eq3A_443, %broadcast_in_dim3A_12, %broadcast_in_dim3A_10 : vector<16xi1>, vector<16xi32>
        %add3A_449 = arith.addi %add3A_430, %select_n3A_448 : vector<16xi32>
        %scan3A_450 = arith.constant 3 : i32
        %scan3A_451 = arith.addi %scan3A_392, %scan3A_450 : i32
        %mul3A_452 = arith.constant 16 : i32
        %mul3A_453 = arith.muli %scan3A_451, %mul3A_452 : i32
        %get3A_454 = arith.index_cast %mul3A_453 : i32 to index
        %get3A_455 = tpu.vector_load %arg10[%get3A_454] {strides = array<i32>} : memref<100000xi32, #tpu.memory_space<vmem>>, vector<16xi32>,
        %get3A_456 = vector.shape_cast %get3A_455 : vector<16xi32> to vector<16xi32>
        %xor3A_457 = arith.xori %get3A_456, %get3A_4 : vector<16xi32>
        %xor3A_458 = arith.xori %get3A_456, %get3A_7 : vector<16xi32>
        %min3A_459 = arith.minsi %xor3A_457, %xor3A_458 : vector<16xi32>
        %eq3A_460 = arith.constant 0 : i32
        %eq3A_461 = vector.broadcast %eq3A_460 : i32 to vector<16xi32>
        %eq3A_462 = arith.cmpi eq, %min3A_459, %eq3A_461 : vector<16xi32>
        %eq3A_463 = arith.cmpi eq, %add3A_449, %broadcast_in_dim3A_170 : vector<16xi32>
        %broadcast_in_dim3A_464 = vector.broadcast %scan3A_451 : i32 to vector<16xi32>
        %select_n3A_465 = arith.select %eq3A_463, %broadcast_in_dim3A_464, %select_n3A_447 : vector<16xi1>, vector<16xi32>
        %select_n3A_466 = arith.select %eq3A_462, %select_n3A_465, %select_n3A_447 : vector<16xi1>, vector<16xi32>
        %select_n3A_467 = arith.select %eq3A_462, %broadcast_in_dim3A_12, %broadcast_in_dim3A_10 : vector<16xi1>, vector<16xi32>
        %add3A_468 = arith.addi %add3A_449, %select_n3A_467 : vector<16xi32>
        %scan3A_469 = arith.constant 4 : i32
        %scan3A_470 = arith.addi %scan3A_392, %scan3A_469 : i32
        %mul3A_471 = arith.constant 16 : i32
        %mul3A_472 = arith.muli %scan3A_470, %mul3A_471 : i32
        %get3A_473 = arith.index_cast %mul3A_472 : i32 to index
        %get3A_474 = tpu.vector_load %arg10[%get3A_473] {strides = array<i32>} : memref<100000xi32, #tpu.memory_space<vmem>>, vector<16xi32>,
        %get3A_475 = vector.shape_cast %get3A_474 : vector<16xi32> to vector<16xi32>
        %xor3A_476 = arith.xori %get3A_475, %get3A_4 : vector<16xi32>
        %xor3A_477 = arith.xori %get3A_475, %get3A_7 : vector<16xi32>
        %min3A_478 = arith.minsi %xor3A_476, %xor3A_477 : vector<16xi32>
        %eq3A_479 = arith.constant 0 : i32
        %eq3A_480 = vector.broadcast %eq3A_479 : i32 to vector<16xi32>
        %eq3A_481 = arith.cmpi eq, %min3A_478, %eq3A_480 : vector<16xi32>
        %eq3A_482 = arith.cmpi eq, %add3A_468, %broadcast_in_dim3A_170 : vector<16xi32>
        %broadcast_in_dim3A_483 = vector.broadcast %scan3A_470 : i32 to vector<16xi32>
        %select_n3A_484 = arith.select %eq3A_482, %broadcast_in_dim3A_483, %select_n3A_466 : vector<16xi1>, vector<16xi32>
        %select_n3A_485 = arith.select %eq3A_481, %select_n3A_484, %select_n3A_466 : vector<16xi1>, vector<16xi32>
        %select_n3A_486 = arith.select %eq3A_481, %broadcast_in_dim3A_12, %broadcast_in_dim3A_10 : vector<16xi1>, vector<16xi32>
        %add3A_487 = arith.addi %add3A_468, %select_n3A_486 : vector<16xi32>
        %scan3A_488 = arith.constant 5 : i32
        %scan3A_489 = arith.addi %scan3A_392, %scan3A_488 : i32
        %mul3A_490 = arith.constant 16 : i32
        %mul3A_491 = arith.muli %scan3A_489, %mul3A_490 : i32
        %get3A_492 = arith.index_cast %mul3A_491 : i32 to index
        %get3A_493 = tpu.vector_load %arg10[%get3A_492] {strides = array<i32>} : memref<100000xi32, #tpu.memory_space<vmem>>, vector<16xi32>,
        %get3A_494 = vector.shape_cast %get3A_493 : vector<16xi32> to vector<16xi32>
        %xor3A_495 = arith.xori %get3A_494, %get3A_4 : vector<16xi32>
        %xor3A_496 = arith.xori %get3A_494, %get3A_7 : vector<16xi32>
        %min3A_497 = arith.minsi %xor3A_495, %xor3A_496 : vector<16xi32>
        %eq3A_498 = arith.constant 0 : i32
        %eq3A_499 = vector.broadcast %eq3A_498 : i32 to vector<16xi32>
        %eq3A_500 = arith.cmpi eq, %min3A_497, %eq3A_499 : vector<16xi32>
        %eq3A_501 = arith.cmpi eq, %add3A_487, %broadcast_in_dim3A_170 : vector<16xi32>
        %broadcast_in_dim3A_502 = vector.broadcast %scan3A_489 : i32 to vector<16xi32>
        %select_n3A_503 = arith.select %eq3A_501, %broadcast_in_dim3A_502, %select_n3A_485 : vector<16xi1>, vector<16xi32>
        %select_n3A_504 = arith.select %eq3A_500, %select_n3A_503, %select_n3A_485 : vector<16xi1>, vector<16xi32>
        %select_n3A_505 = arith.select %eq3A_500, %broadcast_in_dim3A_12, %broadcast_in_dim3A_10 : vector<16xi1>, vector<16xi32>
        %add3A_506 = arith.addi %add3A_487, %select_n3A_505 : vector<16xi32>
        %scan3A_507 = arith.constant 6 : i32
        %scan3A_508 = arith.addi %scan3A_392, %scan3A_507 : i32
        %mul3A_509 = arith.constant 16 : i32
        %mul3A_510 = arith.muli %scan3A_508, %mul3A_509 : i32
        %get3A_511 = arith.index_cast %mul3A_510 : i32 to index
        %get3A_512 = tpu.vector_load %arg10[%get3A_511] {strides = array<i32>} : memref<100000xi32, #tpu.memory_space<vmem>>, vector<16xi32>,
        %get3A_513 = vector.shape_cast %get3A_512 : vector<16xi32> to vector<16xi32>
        %xor3A_514 = arith.xori %get3A_513, %get3A_4 : vector<16xi32>
        %xor3A_515 = arith.xori %get3A_513, %get3A_7 : vector<16xi32>
        %min3A_516 = arith.minsi %xor3A_514, %xor3A_515 : vector<16xi32>
        %eq3A_517 = arith.constant 0 : i32
        %eq3A_518 = vector.broadcast %eq3A_517 : i32 to vector<16xi32>
        %eq3A_519 = arith.cmpi eq, %min3A_516, %eq3A_518 : vector<16xi32>
        %eq3A_520 = arith.cmpi eq, %add3A_506, %broadcast_in_dim3A_170 : vector<16xi32>
        %broadcast_in_dim3A_521 = vector.broadcast %scan3A_508 : i32 to vector<16xi32>
        %select_n3A_522 = arith.select %eq3A_520, %broadcast_in_dim3A_521, %select_n3A_504 : vector<16xi1>, vector<16xi32>
        %select_n3A_523 = arith.select %eq3A_519, %select_n3A_522, %select_n3A_504 : vector<16xi1>, vector<16xi32>
        %select_n3A_524 = arith.select %eq3A_519, %broadcast_in_dim3A_12, %broadcast_in_dim3A_10 : vector<16xi1>, vector<16xi32>
        %add3A_525 = arith.addi %add3A_506, %select_n3A_524 : vector<16xi32>
        %scan3A_526 = arith.constant 7 : i32
        %scan3A_527 = arith.addi %scan3A_392, %scan3A_526 : i32
        %mul3A_528 = arith.constant 16 : i32
        %mul3A_529 = arith.muli %scan3A_527, %mul3A_528 : i32
        %get3A_530 = arith.index_cast %mul3A_529 : i32 to index
        %get3A_531 = tpu.vector_load %arg10[%get3A_530] {strides = array<i32>} : memref<100000xi32, #tpu.memory_space<vmem>>, vector<16xi32>,
        %get3A_532 = vector.shape_cast %get3A_531 : vector<16xi32> to vector<16xi32>
        %xor3A_533 = arith.xori %get3A_532, %get3A_4 : vector<16xi32>
        %xor3A_534 = arith.xori %get3A_532, %get3A_7 : vector<16xi32>
        %min3A_535 = arith.minsi %xor3A_533, %xor3A_534 : vector<16xi32>
        %eq3A_536 = arith.constant 0 : i32
        %eq3A_537 = vector.broadcast %eq3A_536 : i32 to vector<16xi32>
        %eq3A_538 = arith.cmpi eq, %min3A_535, %eq3A_537 : vector<16xi32>
        %eq3A_539 = arith.cmpi eq, %add3A_525, %broadcast_in_dim3A_170 : vector<16xi32>
        %broadcast_in_dim3A_540 = vector.broadcast %scan3A_527 : i32 to vector<16xi32>
        %select_n3A_541 = arith.select %eq3A_539, %broadcast_in_dim3A_540, %select_n3A_523 : vector<16xi1>, vector<16xi32>
        %select_n3A_542 = arith.select %eq3A_538, %select_n3A_541, %select_n3A_523 : vector<16xi1>, vector<16xi32>
        %select_n3A_543 = arith.select %eq3A_538, %broadcast_in_dim3A_12, %broadcast_in_dim3A_10 : vector<16xi1>, vector<16xi32>
        %add3A_544 = arith.addi %add3A_525, %select_n3A_543 : vector<16xi32>
        scf.yield %select_n3A_542, %add3A_544 : vector<16xi32>, vector<16xi32>
      }
      %scan3A_178 = arith.constant 6248 : i32
      %scan3A_179 = arith.addi %scan3A_173, %scan3A_178 : i32
      %mul3A_180 = arith.constant 16 : i32
      %mul3A_181 = arith.muli %scan3A_179, %mul3A_180 : i32
      %get3A_182 = arith.index_cast %mul3A_181 : i32 to index
      %get3A_183 = tpu.vector_load %arg10[%get3A_182] {strides = array<i32>} : memref<100000xi32, #tpu.memory_space<vmem>>, vector<16xi32>,
      %get3A_184 = vector.shape_cast %get3A_183 : vector<16xi32> to vector<16xi32>
      %xor3A_185 = arith.xori %get3A_184, %get3A_4 : vector<16xi32>
      %xor3A_186 = arith.xori %get3A_184, %get3A_7 : vector<16xi32>
      %min3A_187 = arith.minsi %xor3A_185, %xor3A_186 : vector<16xi32>
      %eq3A_188 = arith.constant 0 : i32
      %eq3A_189 = vector.broadcast %eq3A_188 : i32 to vector<16xi32>
      %eq3A_190 = arith.cmpi eq, %min3A_187, %eq3A_189 : vector<16xi32>
      %eq3A_191 = arith.cmpi eq, %scan3A_177#1, %broadcast_in_dim3A_170 : vector<16xi32>
      %broadcast_in_dim3A_192 = vector.broadcast %scan3A_179 : i32 to vector<16xi32>
      %select_n3A_193 = arith.select %eq3A_191, %broadcast_in_dim3A_192, %scan3A_177#0 : vector<16xi1>, vector<16xi32>
      %select_n3A_194 = arith.select %eq3A_190, %select_n3A_193, %scan3A_177#0 : vector<16xi1>, vector<16xi32>
      %select_n3A_195 = arith.select %eq3A_190, %broadcast_in_dim3A_12, %broadcast_in_dim3A_10 : vector<16xi1>, vector<16xi32>
      %add3A_196 = arith.addi %scan3A_177#1, %select_n3A_195 : vector<16xi32>
      %scan3A_197 = arith.constant 6249 : i32
      %scan3A_198 = arith.addi %scan3A_173, %scan3A_197 : i32
      %mul3A_199 = arith.constant 16 : i32
      %mul3A_200 = arith.muli %scan3A_198, %mul3A_199 : i32
      %get3A_201 = arith.index_cast %mul3A_200 : i32 to index
      %get3A_202 = tpu.vector_load %arg10[%get3A_201] {strides = array<i32>} : memref<100000xi32, #tpu.memory_space<vmem>>, vector<16xi32>,
      %get3A_203 = vector.shape_cast %get3A_202 : vector<16xi32> to vector<16xi32>
      %xor3A_204 = arith.xori %get3A_203, %get3A_4 : vector<16xi32>
      %xor3A_205 = arith.xori %get3A_203, %get3A_7 : vector<16xi32>
      %min3A_206 = arith.minsi %xor3A_204, %xor3A_205 : vector<16xi32>
      %eq3A_207 = arith.constant 0 : i32
      %eq3A_208 = vector.broadcast %eq3A_207 : i32 to vector<16xi32>
      %eq3A_209 = arith.cmpi eq, %min3A_206, %eq3A_208 : vector<16xi32>
      %eq3A_210 = arith.cmpi eq, %add3A_196, %broadcast_in_dim3A_170 : vector<16xi32>
      %broadcast_in_dim3A_211 = vector.broadcast %scan3A_198 : i32 to vector<16xi32>
      %select_n3A_212 = arith.select %eq3A_210, %broadcast_in_dim3A_211, %select_n3A_194 : vector<16xi1>, vector<16xi32>
      %select_n3A_213 = arith.select %eq3A_209, %select_n3A_212, %select_n3A_194 : vector<16xi1>, vector<16xi32>
      %select_n3A_214 = arith.select %eq3A_209, %broadcast_in_dim3A_12, %broadcast_in_dim3A_10 : vector<16xi1>, vector<16xi32>
      %add3A_215 = arith.addi %add3A_196, %select_n3A_214 : vector<16xi32>
      %scan3A_216 = arith.constant 6250 : i32
      %gt3A_217 = vector.broadcast %add3A_169 : i32 to vector<16xi32>
      %gt3A_218 = arith.cmpi sgt, %add3A_215, %gt3A_217 : vector<16xi32>
      %mul3A_219 = arith.constant 16 : i32
      %mul3A_220 = vector.broadcast %mul3A_219 : i32 to vector<16xi32>
      %mul3A_221 = arith.muli %select_n3A_213, %mul3A_220 : vector<16xi32>
      %add3A_222 = arith.addi %mul3A_221, %iota3A : vector<16xi32>
      %select_n3A_223 = arith.select %gt3A_218, %add3A_222, %broadcast_in_dim3A_10 : vector<16xi1>, vector<16xi32>
      %add3A_224 = vector.broadcast %mul3A_2 : i32 to vector<16xi32>
      %add3A_225 = arith.addi %select_n3A_223, %add3A_224 : vector<16xi32>
      %select_n3A_226 = arith.select %gt3A_218, %add3A_225, %broadcast_in_dim3A_10 : vector<16xi1>, vector<16xi32>
      %dma_start3A = arith.constant 0 : i32
      %dma_start3A_227 = tpu.memref_slice %arg3[%dma_start3A] : memref<3200000xi32, #tpu.memory_space<hbm>> -> memref<3200000xi32, #tpu.memory_space<hbm>>
      tpu.enqueue_indirect_dma source(%dma_start3A_227 : memref<3200000xi32, #tpu.memory_space<hbm>>) target(%arg13 : memref<16xi32, #tpu.memory_space<vmem>>) offsets(%select_n3A_226 : vector<16xi32>) semaphore(%arg17 : memref<!tpu.dma_semaphore, #tpu.memory_space<semaphore_mem>>)
      %add3A_228 = vector.broadcast %mul3A_2 : i32 to vector<16xi32>
      %add3A_229 = arith.addi %select_n3A_223, %add3A_228 : vector<16xi32>
      %select_n3A_230 = arith.select %gt3A_218, %add3A_229, %broadcast_in_dim3A_10 : vector<16xi1>, vector<16xi32>
      %dma_start3A_231 = arith.constant 0 : i32
      %dma_start3A_232 = tpu.memref_slice %arg2[%dma_start3A_231] : memref<3200000xi32, #tpu.memory_space<hbm>> -> memref<3200000xi32, #tpu.memory_space<hbm>>
      tpu.enqueue_indirect_dma source(%dma_start3A_232 : memref<3200000xi32, #tpu.memory_space<hbm>>) target(%arg14 : memref<16xi32, #tpu.memory_space<vmem>>) offsets(%select_n3A_230 : vector<16xi32>) semaphore(%arg17 : memref<!tpu.dma_semaphore, #tpu.memory_space<semaphore_mem>>)
      %dma_wait3A = arith.constant 0 : i32
      %dma_wait3A_233 = tpu.memref_slice %arg3[%dma_wait3A] : memref<3200000xi32, #tpu.memory_space<hbm>> -> memref<3200000xi32, #tpu.memory_space<hbm>>
      tpu.wait_indirect_dma semaphore(%arg17 : memref<!tpu.dma_semaphore, #tpu.memory_space<semaphore_mem>>) src(%dma_wait3A_233 : memref<3200000xi32, #tpu.memory_space<hbm>>) dst(%arg13 : memref<16xi32, #tpu.memory_space<vmem>>)
      %dma_wait3A_234 = arith.constant 0 : i32
      %dma_wait3A_235 = tpu.memref_slice %arg2[%dma_wait3A_234] : memref<3200000xi32, #tpu.memory_space<hbm>> -> memref<3200000xi32, #tpu.memory_space<hbm>>
      tpu.wait_indirect_dma semaphore(%arg17 : memref<!tpu.dma_semaphore, #tpu.memory_space<semaphore_mem>>) src(%dma_wait3A_235 : memref<3200000xi32, #tpu.memory_space<hbm>>) dst(%arg14 : memref<16xi32, #tpu.memory_space<vmem>>)
      %get3A_236 = arith.constant 0 : index
      %get3A_237 = tpu.vector_load %arg14[%get3A_236] {strides = array<i32>} : memref<16xi32, #tpu.memory_space<vmem>>, vector<16xi32>,
      %get3A_238 = vector.shape_cast %get3A_237 : vector<16xi32> to vector<16xi32>
      %broadcast_in_dim3A_239 = arith.constant -1 : i32
      %broadcast_in_dim3A_240 = vector.broadcast %broadcast_in_dim3A_239 : i32 to vector<16xi32>
      %select_n3A_241 = arith.select %gt3A_218, %get3A_238, %broadcast_in_dim3A_240 : vector<16xi1>, vector<16xi32>
      %get3A_242 = arith.constant 0 : index
      %get3A_243 = tpu.vector_load %arg13[%get3A_242] {strides = array<i32>} : memref<16xi32, #tpu.memory_space<vmem>>, vector<16xi32>,
      %get3A_244 = vector.shape_cast %get3A_243 : vector<16xi32> to vector<16xi32>
      %select_n3A_245 = arith.select %gt3A_218, %get3A_244, %broadcast_in_dim3A_10 : vector<16xi1>, vector<16xi32>
      %dma_start3A_246 = arith.constant 0 : i32
      %dma_start3A_247 = arith.constant 0 : i32
      %dma_start3A_248 = tpu.memref_slice %arg15[%dma_start3A_246, %dma_start3A_247] : memref<3x16xf32, #tpu.memory_space<vmem>> -> memref<1x16xf32, #tpu.memory_space<vmem>>
      %dma_start3A_249 = tpu.memref_squeeze %dma_start3A_248 : memref<1x16xf32, #tpu.memory_space<vmem>> -> memref<16xf32, #tpu.memory_space<vmem>>
      %dma_start3A_250 = arith.constant 0 : i32
      %dma_start3A_251 = tpu.memref_slice %arg4[%dma_start3A_250] : memref<100000xf32, #tpu.memory_space<hbm>> -> memref<100000xf32, #tpu.memory_space<hbm>>
      tpu.enqueue_indirect_dma source(%dma_start3A_251 : memref<100000xf32, #tpu.memory_space<hbm>>) target(%dma_start3A_249 : memref<16xf32, #tpu.memory_space<vmem>>) offsets(%select_n3A_245 : vector<16xi32>) semaphore(%arg17 : memref<!tpu.dma_semaphore, #tpu.memory_space<semaphore_mem>>)
      %dma_start3A_252 = arith.constant 1 : i32
      %dma_start3A_253 = arith.constant 0 : i32
      %dma_start3A_254 = tpu.memref_slice %arg15[%dma_start3A_252, %dma_start3A_253] : memref<3x16xf32, #tpu.memory_space<vmem>> -> memref<1x16xf32, #tpu.memory_space<vmem>>
      %dma_start3A_255 = tpu.memref_squeeze %dma_start3A_254 : memref<1x16xf32, #tpu.memory_space<vmem>> -> memref<16xf32, #tpu.memory_space<vmem>>
      %dma_start3A_256 = arith.constant 0 : i32
      %dma_start3A_257 = tpu.memref_slice %arg5[%dma_start3A_256] : memref<100000xf32, #tpu.memory_space<hbm>> -> memref<100000xf32, #tpu.memory_space<hbm>>
      tpu.enqueue_indirect_dma source(%dma_start3A_257 : memref<100000xf32, #tpu.memory_space<hbm>>) target(%dma_start3A_255 : memref<16xf32, #tpu.memory_space<vmem>>) offsets(%select_n3A_245 : vector<16xi32>) semaphore(%arg17 : memref<!tpu.dma_semaphore, #tpu.memory_space<semaphore_mem>>)
      %dma_start3A_258 = arith.constant 2 : i32
      %dma_start3A_259 = arith.constant 0 : i32
      %dma_start3A_260 = tpu.memref_slice %arg15[%dma_start3A_258, %dma_start3A_259] : memref<3x16xf32, #tpu.memory_space<vmem>> -> memref<1x16xf32, #tpu.memory_space<vmem>>
      %dma_start3A_261 = tpu.memref_squeeze %dma_start3A_260 : memref<1x16xf32, #tpu.memory_space<vmem>> -> memref<16xf32, #tpu.memory_space<vmem>>
      %dma_start3A_262 = arith.constant 0 : i32
      %dma_start3A_263 = tpu.memref_slice %arg6[%dma_start3A_262] : memref<100000xf32, #tpu.memory_space<hbm>> -> memref<100000xf32, #tpu.memory_space<hbm>>
      tpu.enqueue_indirect_dma source(%dma_start3A_263 : memref<100000xf32, #tpu.memory_space<hbm>>) target(%dma_start3A_261 : memref<16xf32, #tpu.memory_space<vmem>>) offsets(%select_n3A_245 : vector<16xi32>) semaphore(%arg17 : memref<!tpu.dma_semaphore, #tpu.memory_space<semaphore_mem>>)
      %dma_wait3A_264 = arith.constant 0 : i32
      %dma_wait3A_265 = arith.constant 0 : i32
      %dma_wait3A_266 = tpu.memref_slice %arg15[%dma_wait3A_264, %dma_wait3A_265] : memref<3x16xf32, #tpu.memory_space<vmem>> -> memref<1x16xf32, #tpu.memory_space<vmem>>
      %dma_wait3A_267 = tpu.memref_squeeze %dma_wait3A_266 : memref<1x16xf32, #tpu.memory_space<vmem>> -> memref<16xf32, #tpu.memory_space<vmem>>
      %dma_wait3A_268 = arith.constant 0 : i32
      %dma_wait3A_269 = tpu.memref_slice %arg4[%dma_wait3A_268] : memref<100000xf32, #tpu.memory_space<hbm>> -> memref<100000xf32, #tpu.memory_space<hbm>>
      tpu.wait_indirect_dma semaphore(%arg17 : memref<!tpu.dma_semaphore, #tpu.memory_space<semaphore_mem>>) src(%dma_wait3A_269 : memref<100000xf32, #tpu.memory_space<hbm>>) dst(%dma_wait3A_267 : memref<16xf32, #tpu.memory_space<vmem>>)
      %dma_wait3A_270 = arith.constant 1 : i32
      %dma_wait3A_271 = arith.constant 0 : i32
      %dma_wait3A_272 = tpu.memref_slice %arg15[%dma_wait3A_270, %dma_wait3A_271] : memref<3x16xf32, #tpu.memory_space<vmem>> -> memref<1x16xf32, #tpu.memory_space<vmem>>
      %dma_wait3A_273 = tpu.memref_squeeze %dma_wait3A_272 : memref<1x16xf32, #tpu.memory_space<vmem>> -> memref<16xf32, #tpu.memory_space<vmem>>
      %dma_wait3A_274 = arith.constant 0 : i32
      %dma_wait3A_275 = tpu.memref_slice %arg5[%dma_wait3A_274] : memref<100000xf32, #tpu.memory_space<hbm>> -> memref<100000xf32, #tpu.memory_space<hbm>>
      tpu.wait_indirect_dma semaphore(%arg17 : memref<!tpu.dma_semaphore, #tpu.memory_space<semaphore_mem>>) src(%dma_wait3A_275 : memref<100000xf32, #tpu.memory_space<hbm>>) dst(%dma_wait3A_273 : memref<16xf32, #tpu.memory_space<vmem>>)
      %dma_wait3A_276 = arith.constant 2 : i32
      %dma_wait3A_277 = arith.constant 0 : i32
      %dma_wait3A_278 = tpu.memref_slice %arg15[%dma_wait3A_276, %dma_wait3A_277] : memref<3x16xf32, #tpu.memory_space<vmem>> -> memref<1x16xf32, #tpu.memory_space<vmem>>
      %dma_wait3A_279 = tpu.memref_squeeze %dma_wait3A_278 : memref<1x16xf32, #tpu.memory_space<vmem>> -> memref<16xf32, #tpu.memory_space<vmem>>
      %dma_wait3A_280 = arith.constant 0 : i32
      %dma_wait3A_281 = tpu.memref_slice %arg6[%dma_wait3A_280] : memref<100000xf32, #tpu.memory_space<hbm>> -> memref<100000xf32, #tpu.memory_space<hbm>>
      tpu.wait_indirect_dma semaphore(%arg17 : memref<!tpu.dma_semaphore, #tpu.memory_space<semaphore_mem>>) src(%dma_wait3A_281 : memref<100000xf32, #tpu.memory_space<hbm>>) dst(%dma_wait3A_279 : memref<16xf32, #tpu.memory_space<vmem>>)
      %eq3A_282 = arith.cmpi eq, %select_n3A_241, %get3A_4 : vector<16xi32>
      %eq3A_283 = arith.cmpi eq, %select_n3A_241, %get3A_7 : vector<16xi32>
      %get3A_284 = arith.constant 0 : i32
      %get3A_285 = arith.index_cast %get3A_284 : i32 to index
      %get3A_286 = arith.constant 0 : index
      %get3A_287 = tpu.vector_load %arg16[%get3A_285, %get3A_286] {strides = array<i32>} : memref<8x16xf32, #tpu.memory_space<vmem>>, vector<1x16xf32>,
      %get3A_288 = vector.shape_cast %get3A_287 : vector<1x16xf32> to vector<16xf32>
      %get3A_289 = arith.constant 0 : i32
      %get3A_290 = arith.index_cast %get3A_289 : i32 to index
      %get3A_291 = arith.constant 0 : index
      %get3A_292 = tpu.vector_load %arg15[%get3A_290, %get3A_291] {strides = array<i32>} : memref<3x16xf32, #tpu.memory_space<vmem>>, vector<1x16xf32>,
      %get3A_293 = vector.shape_cast %get3A_292 : vector<1x16xf32> to vector<16xf32>
      %select_n3A_294 = arith.select %eq3A_282, %get3A_293, %broadcast_in_dim3A_8 : vector<16xi1>, vector<16xf32>
      %add3A_295 = arith.addf %get3A_288, %select_n3A_294 : vector<16xf32>
      %swap3A_296 = arith.constant 0 : i32
      %swap3A_297 = arith.index_cast %swap3A_296 : i32 to index
      %swap3A_298 = arith.constant 0 : index
      %swap3A_299 = tpu.vector_load %arg16[%swap3A_297, %swap3A_298] {strides = array<i32>} : memref<8x16xf32, #tpu.memory_space<vmem>>, vector<1x16xf32>,
      %swap3A_300 = vector.shape_cast %swap3A_299 : vector<1x16xf32> to vector<16xf32>
      %swap3A_301 = vector.shape_cast %add3A_295 : vector<16xf32> to vector<1x16xf32>
      tpu.vector_store %arg16[%swap3A_297, %swap3A_298], %swap3A_301 {strides = array<i32>} : memref<8x16xf32, #tpu.memory_space<vmem>>, vector<1x16xf32>,
      %get3A_302 = arith.constant 3 : i32
      %get3A_303 = arith.index_cast %get3A_302 : i32 to index
      %get3A_304 = arith.constant 0 : index
      %get3A_305 = tpu.vector_load %arg16[%get3A_303, %get3A_304] {strides = array<i32>} : memref<8x16xf32, #tpu.memory_space<vmem>>, vector<1x16xf32>,
      %get3A_306 = vector.shape_cast %get3A_305 : vector<1x16xf32> to vector<16xf32>
      %get3A_307 = arith.constant 0 : i32
      %get3A_308 = arith.index_cast %get3A_307 : i32 to index
      %get3A_309 = arith.constant 0 : index
      %get3A_310 = tpu.vector_load %arg15[%get3A_308, %get3A_309] {strides = array<i32>} : memref<3x16xf32, #tpu.memory_space<vmem>>, vector<1x16xf32>,
      %get3A_311 = vector.shape_cast %get3A_310 : vector<1x16xf32> to vector<16xf32>
      %select_n3A_312 = arith.select %eq3A_283, %get3A_311, %broadcast_in_dim3A_8 : vector<16xi1>, vector<16xf32>
      %add3A_313 = arith.addf %get3A_306, %select_n3A_312 : vector<16xf32>
      %swap3A_314 = arith.constant 3 : i32
      %swap3A_315 = arith.index_cast %swap3A_314 : i32 to index
      %swap3A_316 = arith.constant 0 : index
      %swap3A_317 = tpu.vector_load %arg16[%swap3A_315, %swap3A_316] {strides = array<i32>} : memref<8x16xf32, #tpu.memory_space<vmem>>, vector<1x16xf32>,
      %swap3A_318 = vector.shape_cast %swap3A_317 : vector<1x16xf32> to vector<16xf32>
      %swap3A_319 = vector.shape_cast %add3A_313 : vector<16xf32> to vector<1x16xf32>
      tpu.vector_store %arg16[%swap3A_315, %swap3A_316], %swap3A_319 {strides = array<i32>} : memref<8x16xf32, #tpu.memory_space<vmem>>, vector<1x16xf32>,
      %get3A_320 = arith.constant 1 : i32
      %get3A_321 = arith.index_cast %get3A_320 : i32 to index
      %get3A_322 = arith.constant 0 : index
      %get3A_323 = tpu.vector_load %arg16[%get3A_321, %get3A_322] {strides = array<i32>} : memref<8x16xf32, #tpu.memory_space<vmem>>, vector<1x16xf32>,
      %get3A_324 = vector.shape_cast %get3A_323 : vector<1x16xf32> to vector<16xf32>
      %get3A_325 = arith.constant 1 : i32
      %get3A_326 = arith.index_cast %get3A_325 : i32 to index
      %get3A_327 = arith.constant 0 : index
      %get3A_328 = tpu.vector_load %arg15[%get3A_326, %get3A_327] {strides = array<i32>} : memref<3x16xf32, #tpu.memory_space<vmem>>, vector<1x16xf32>,
      %get3A_329 = vector.shape_cast %get3A_328 : vector<1x16xf32> to vector<16xf32>
      %select_n3A_330 = arith.select %eq3A_282, %get3A_329, %broadcast_in_dim3A_8 : vector<16xi1>, vector<16xf32>
      %add3A_331 = arith.addf %get3A_324, %select_n3A_330 : vector<16xf32>
      %swap3A_332 = arith.constant 1 : i32
      %swap3A_333 = arith.index_cast %swap3A_332 : i32 to index
      %swap3A_334 = arith.constant 0 : index
      %swap3A_335 = tpu.vector_load %arg16[%swap3A_333, %swap3A_334] {strides = array<i32>} : memref<8x16xf32, #tpu.memory_space<vmem>>, vector<1x16xf32>,
      %swap3A_336 = vector.shape_cast %swap3A_335 : vector<1x16xf32> to vector<16xf32>
      %swap3A_337 = vector.shape_cast %add3A_331 : vector<16xf32> to vector<1x16xf32>
      tpu.vector_store %arg16[%swap3A_333, %swap3A_334], %swap3A_337 {strides = array<i32>} : memref<8x16xf32, #tpu.memory_space<vmem>>, vector<1x16xf32>,
      %get3A_338 = arith.constant 4 : i32
      %get3A_339 = arith.index_cast %get3A_338 : i32 to index
      %get3A_340 = arith.constant 0 : index
      %get3A_341 = tpu.vector_load %arg16[%get3A_339, %get3A_340] {strides = array<i32>} : memref<8x16xf32, #tpu.memory_space<vmem>>, vector<1x16xf32>,
      %get3A_342 = vector.shape_cast %get3A_341 : vector<1x16xf32> to vector<16xf32>
      %get3A_343 = arith.constant 1 : i32
      %get3A_344 = arith.index_cast %get3A_343 : i32 to index
      %get3A_345 = arith.constant 0 : index
      %get3A_346 = tpu.vector_load %arg15[%get3A_344, %get3A_345] {strides = array<i32>} : memref<3x16xf32, #tpu.memory_space<vmem>>, vector<1x16xf32>,
      %get3A_347 = vector.shape_cast %get3A_346 : vector<1x16xf32> to vector<16xf32>
      %select_n3A_348 = arith.select %eq3A_283, %get3A_347, %broadcast_in_dim3A_8 : vector<16xi1>, vector<16xf32>
      %add3A_349 = arith.addf %get3A_342, %select_n3A_348 : vector<16xf32>
      %swap3A_350 = arith.constant 4 : i32
      %swap3A_351 = arith.index_cast %swap3A_350 : i32 to index
      %swap3A_352 = arith.constant 0 : index
      %swap3A_353 = tpu.vector_load %arg16[%swap3A_351, %swap3A_352] {strides = array<i32>} : memref<8x16xf32, #tpu.memory_space<vmem>>, vector<1x16xf32>,
      %swap3A_354 = vector.shape_cast %swap3A_353 : vector<1x16xf32> to vector<16xf32>
      %swap3A_355 = vector.shape_cast %add3A_349 : vector<16xf32> to vector<1x16xf32>
      tpu.vector_store %arg16[%swap3A_351, %swap3A_352], %swap3A_355 {strides = array<i32>} : memref<8x16xf32, #tpu.memory_space<vmem>>, vector<1x16xf32>,
      %get3A_356 = arith.constant 2 : i32
      %get3A_357 = arith.index_cast %get3A_356 : i32 to index
      %get3A_358 = arith.constant 0 : index
      %get3A_359 = tpu.vector_load %arg16[%get3A_357, %get3A_358] {strides = array<i32>} : memref<8x16xf32, #tpu.memory_space<vmem>>, vector<1x16xf32>,
      %get3A_360 = vector.shape_cast %get3A_359 : vector<1x16xf32> to vector<16xf32>
      %get3A_361 = arith.constant 2 : i32
      %get3A_362 = arith.index_cast %get3A_361 : i32 to index
      %get3A_363 = arith.constant 0 : index
      %get3A_364 = tpu.vector_load %arg15[%get3A_362, %get3A_363] {strides = array<i32>} : memref<3x16xf32, #tpu.memory_space<vmem>>, vector<1x16xf32>,
      %get3A_365 = vector.shape_cast %get3A_364 : vector<1x16xf32> to vector<16xf32>
      %select_n3A_366 = arith.select %eq3A_282, %get3A_365, %broadcast_in_dim3A_8 : vector<16xi1>, vector<16xf32>
      %add3A_367 = arith.addf %get3A_360, %select_n3A_366 : vector<16xf32>
      %swap3A_368 = arith.constant 2 : i32
      %swap3A_369 = arith.index_cast %swap3A_368 : i32 to index
      %swap3A_370 = arith.constant 0 : index
      %swap3A_371 = tpu.vector_load %arg16[%swap3A_369, %swap3A_370] {strides = array<i32>} : memref<8x16xf32, #tpu.memory_space<vmem>>, vector<1x16xf32>,
      %swap3A_372 = vector.shape_cast %swap3A_371 : vector<1x16xf32> to vector<16xf32>
      %swap3A_373 = vector.shape_cast %add3A_367 : vector<16xf32> to vector<1x16xf32>
      tpu.vector_store %arg16[%swap3A_369, %swap3A_370], %swap3A_373 {strides = array<i32>} : memref<8x16xf32, #tpu.memory_space<vmem>>, vector<1x16xf32>,
      %get3A_374 = arith.constant 5 : i32
      %get3A_375 = arith.index_cast %get3A_374 : i32 to index
      %get3A_376 = arith.constant 0 : index
      %get3A_377 = tpu.vector_load %arg16[%get3A_375, %get3A_376] {strides = array<i32>} : memref<8x16xf32, #tpu.memory_space<vmem>>, vector<1x16xf32>,
      %get3A_378 = vector.shape_cast %get3A_377 : vector<1x16xf32> to vector<16xf32>
      %get3A_379 = arith.constant 2 : i32
      %get3A_380 = arith.index_cast %get3A_379 : i32 to index
      %get3A_381 = arith.constant 0 : index
      %get3A_382 = tpu.vector_load %arg15[%get3A_380, %get3A_381] {strides = array<i32>} : memref<3x16xf32, #tpu.memory_space<vmem>>, vector<1x16xf32>,
      %get3A_383 = vector.shape_cast %get3A_382 : vector<1x16xf32> to vector<16xf32>
      %select_n3A_384 = arith.select %eq3A_283, %get3A_383, %broadcast_in_dim3A_8 : vector<16xi1>, vector<16xf32>
      %add3A_385 = arith.addf %get3A_378, %select_n3A_384 : vector<16xf32>
      %swap3A_386 = arith.constant 5 : i32
      %swap3A_387 = arith.index_cast %swap3A_386 : i32 to index
      %swap3A_388 = arith.constant 0 : index
      %swap3A_389 = tpu.vector_load %arg16[%swap3A_387, %swap3A_388] {strides = array<i32>} : memref<8x16xf32, #tpu.memory_space<vmem>>, vector<1x16xf32>,
      %swap3A_390 = vector.shape_cast %swap3A_389 : vector<1x16xf32> to vector<16xf32>
      %swap3A_391 = vector.shape_cast %add3A_385 : vector<16xf32> to vector<1x16xf32>
      tpu.vector_store %arg16[%swap3A_387, %swap3A_388], %swap3A_391 {strides = array<i32>} : memref<8x16xf32, #tpu.memory_space<vmem>>, vector<1x16xf32>,
    }
    "tpu.region"() ({
      %run_scoped3A = tpu.sem_alloc : memref<!tpu.dma_semaphore, #tpu.memory_space<semaphore_mem>>
      %dma_start3A = arith.constant 0 : i32
      %dma_start3A_167 = arith.constant 0 : i32
      %dma_start3A_168 = tpu.memref_slice %arg9[%add3A, %dma_start3A, %dma_start3A_167] : memref<32x8x16xf32, #tpu.memory_space<hbm>> -> memref<1x8x16xf32, #tpu.memory_space<hbm>>
      %dma_start3A_169 = tpu.memref_squeeze %dma_start3A_168 : memref<1x8x16xf32, #tpu.memory_space<hbm>> -> memref<8x16xf32, #tpu.memory_space<hbm>>
      %dma_start3A_170 = arith.constant 0 : i32
      %dma_start3A_171 = arith.constant 0 : i32
      %dma_start3A_172 = tpu.memref_slice %arg9[%add3A, %dma_start3A_170, %dma_start3A_171] : memref<32x8x16xf32, #tpu.memory_space<hbm>> -> memref<1x8x16xf32, #tpu.memory_space<hbm>>
      %dma_start3A_173 = tpu.memref_squeeze %dma_start3A_172 : memref<1x8x16xf32, #tpu.memory_space<hbm>> -> memref<8x16xf32, #tpu.memory_space<hbm>>
      tpu.enqueue_dma source(%arg16 : memref<8x16xf32, #tpu.memory_space<vmem>>) target(%dma_start3A_173 : memref<8x16xf32, #tpu.memory_space<hbm>>) target_semaphore(%run_scoped3A : memref<!tpu.dma_semaphore, #tpu.memory_space<semaphore_mem>>)
      %dma_wait3A = arith.constant 0 : i32
      %dma_wait3A_174 = arith.constant 0 : i32
      %dma_wait3A_175 = tpu.memref_slice %arg9[%add3A, %dma_wait3A, %dma_wait3A_174] : memref<32x8x16xf32, #tpu.memory_space<hbm>> -> memref<1x8x16xf32, #tpu.memory_space<hbm>>
      %dma_wait3A_176 = tpu.memref_squeeze %dma_wait3A_175 : memref<1x8x16xf32, #tpu.memory_space<hbm>> -> memref<8x16xf32, #tpu.memory_space<hbm>>
      %dma_wait3A_177 = arith.constant 0 : i32
      %dma_wait3A_178 = arith.constant 0 : i32
      %dma_wait3A_179 = tpu.memref_slice %arg9[%add3A, %dma_wait3A_177, %dma_wait3A_178] : memref<32x8x16xf32, #tpu.memory_space<hbm>> -> memref<1x8x16xf32, #tpu.memory_space<hbm>>
      %dma_wait3A_180 = tpu.memref_squeeze %dma_wait3A_179 : memref<1x8x16xf32, #tpu.memory_space<hbm>> -> memref<8x16xf32, #tpu.memory_space<hbm>>
      tpu.wait_dma2 semaphore(%run_scoped3A : memref<!tpu.dma_semaphore, #tpu.memory_space<semaphore_mem>>) src(%arg16 : memref<8x16xf32, #tpu.memory_space<vmem>>) dst(%dma_wait3A_180 : memref<8x16xf32, #tpu.memory_space<hbm>>)
      tpu.yield
    }) : () -> ()
    return
  }
}

</mosaic_0001>

<sc_bundles>
// kernel: kernel.3.cloned.1.call-start
scs
__scs_entry_jumppad:
0x0: {  	(pc) =	sbr.rel $0x88, $3  }
0x1: {  	(tag) =	ssettag $0x0;
	lr =	simm.s32 $0x1  }
0x2: {  	[smem:$0x3F97] =	sst lr;
	_ =	strace $0xD0000000  }
0x3: {  	_ = 	snop  }
0x4: {  	_ = 	snop  }
0x5: {  	_ = 	snop  }
0x6: {  	_ = 	snop  }
0x7: {  	_ = 	snop  }
__scs_overlays_trampoline_lowered:
0x8: {  	[smem:$0x3FA6] =	sst s0  }
0x9: {  	[smem:$0x3FA7] =	sst s1  }
0xa: {  	[smem:$0x3FA8] =	sst s2  }
0xb: {  	[smem:$0x3FA9] =	sst s3  }
0xc: {  	[smem:$0x3FAA] =	sst s4  }
0xd: {  	[smem:$0x3FAB] =	sst s5  }
0xe: {  	[smem:$0x3FAC] =	sst s6  }
0xf: {  	[smem:$0x3FAD] =	sst s7  }
0x10: {  	[smem:$0x3FAE] =	sst s8  }
0x11: {  	[smem:$0x3FAF] =	sst s9;
	s0 =	simm.s32 @!p0 $0x0  }
0x12: {  	s1 =	sld [smem:$0x3F95];
	s0 =	simm.s32 @p0 $0x1  }
0x13: {  	[smem:$0x3FB0] =	sst s0;
	s0 =	simm.s32 @!p1 $0x0  }
0x14: {  	s2 =	sld [smem:$0x3F94];
	s0 =	simm.s32 @p1 $0x1  }
0x15: {  	[smem:$0x3FB1] =	sst s0;
	s0 =	simm.s32 @!p2 $0x0  }
0x16: {  	s3 =	sld [smem:$0x3FDB];
	s0 =	simm.s32 @p2 $0x1  }
0x17: {  	s4 =	simm.s32 $0x1BF5;
	[smem:$0x3FB3] =	sst s0  }
0x18: {  	s0 =	sld [smem:$0x3F96];
	_ =	swait.ge [sflag:s4], $0x0  }
0x19: {  	s7 =	sld [smem:$0x3F97]  }
0x1a: {  	s8 =	sadd.s32 $0xFFFFE003, lr  }
0x1b: {  	s9 =	sadd.s32 $0xFFFFFEF7, lr;
	s5 =	simm.s32 $0xFFFFFFFF;
	p2 =	slt.u32 s8, $0xFFFFF086  }
0x1c: {  	p1 =	slt.u32 s9, $0xF7A;
	s5 =	simm.s32 @!p2 $0x0  }
0x1d: {  	s5 =	simm.s32 @p1 $0x1;
	p0 =	seq.s32 s7, s2  }
0x1e: {  	s7 =	smul.u32 @!p0 $0xF7A, s2;
	p2 =	seq.s32 @!p0 s5, $0x0  }
0x1f: {  	s9 =	smul.u32 $0xF7A, s1;
	s8 =	simm.s32 @!p0 $0x1BF5;
	p2 =	por !p2, p0  }
0x20: {  	[sflag:s8] =	ssyncset.s32 @!p0 $0xFFFFF086;
	s6 =	sadd.s32 @!p0 s3, s7;
	s7 =	simm.s32 @!p0 $0x108  }
0x21: {  	s3 =	sadd.s32 s3, s9;
	s6 =	sadd.s32 @!p0 $0x88, s6;
	s7 =	simm.s32 @p2 $0x1082  }
0x22: {  	[simem:s7], [sflag:s8] =	dma.local @!p0 [hbm:s6], $0xF7A  }
0x23: {  	s9 =	sor.u32 $0xD0000000, s2;
	s6 =	simm.s32 $0x108;
	_ =	swait.ge @!p0 [sflag:s8], $0x0  }
0x24: {  	s3 =	sadd.s32 $0x88, s3;
	s6 =	simm.s32 @!p1 $0x1082;
	[sflag:s4] =	ssyncset.s32 $0xFFFFF086  }
0x25: {  	[simem:s6], [sflag:s4] =	dma.local [hbm:s3], $0xF7A  }
0x26: {  	[smem:$0x3F97] =	sst s1;
	(tag) =	ssettag s2;
	_ =	strace s9  }
0x27: {  	s1 =	sld [smem:$0x3FA7]  }
0x28: {  	s2 =	sld [smem:$0x3FA8]  }
0x29: {  	s4 =	sld [smem:$0x3FAA]  }
0x2a: {  	p0 =	seq.s32 s5, $0x0;
	s5 =	sld [smem:$0x3FAB]  }
0x2b: {  	s6 =	sld [smem:$0x3FAC]  }
0x2c: {  	s7 =	sld [smem:$0x3FAD]  }
0x2d: {  	s3 =	simm.s32 $0x108;
	s8 =	sld [smem:$0x3FAE]  }
0x2e: {  	s3 =	simm.s32 @!p0 $0x1082;
	s9 =	sld [smem:$0x3FAF]  }
0x2f: {  	lr =	sadd.s32 s0, s3;
	s0 =	sld [smem:$0x3FA6]  }
0x30: {  	s3 =	sld [smem:$0x3FA9]  }
0x31: {  	[smem:$0x3FB2] =	sst s10  }
0x32: {  	s10 =	sld [smem:$0x3FB0];
	_ =	sdelay $0x3  }
0x33: {  	p0 =	seq.s32 s10, $0x1;
	s10 =	sld [smem:$0x3FB2];
	_ =	sdelay $0x3  }
0x34: {  	[smem:$0x3FB2] =	sst s10  }
0x35: {  	s10 =	sld [smem:$0x3FB1];
	_ =	sdelay $0x3  }
0x36: {  	p1 =	seq.s32 s10, $0x1;
	s10 =	sld [smem:$0x3FB2];
	_ =	sdelay $0x3  }
0x37: {  	[smem:$0x3FB2] =	sst s10  }
0x38: {  	s10 =	sld [smem:$0x3FB3]  }
0x39: {  	_ = 	snop;
	(pc) =	sbr.ind lr, $3  }
0x3a: {  	_ = 	snop  }
0x3b: {  	_ = 	snop  }
0x3c: {  	p2 =	seq.s32 s10, $0x1;
	s10 =	sld [smem:$0x3FB2]  }
0x3d: {  	_ =	shalt  }
0x3e: {  	_ =	shalt  }
0x3f: {  	_ =	shalt  }
0x40: {  	_ =	shalt  }
0x41: {  	_ =	shalt  }
0x42: {  	_ =	shalt  }
0x43: {  	_ =	shalt  }
0x44: {  	_ =	shalt  }
0x45: {  	_ =	shalt  }
0x46: {  	_ =	shalt  }
0x47: {  	_ =	shalt  }
0x48: {  	_ =	shalt  }
0x49: {  	_ =	shalt  }
0x4a: {  	_ =	shalt  }
0x4b: {  	_ =	shalt  }
0x4c: {  	_ =	shalt  }
0x4d: {  	_ =	shalt  }
0x4e: {  	_ =	shalt  }
0x4f: {  	_ =	shalt  }
0x50: {  	_ =	shalt  }
0x51: {  	_ =	shalt  }
0x52: {  	_ =	shalt  }
0x53: {  	_ =	shalt  }
0x54: {  	_ =	shalt  }
0x55: {  	_ =	shalt  }
0x56: {  	_ =	shalt  }
0x57: {  	_ =	shalt  }
0x58: {  	_ =	shalt  }
0x59: {  	_ =	shalt  }
0x5a: {  	_ =	shalt  }
0x5b: {  	_ =	shalt  }
0x5c: {  	_ =	shalt  }
0x5d: {  	_ =	shalt  }
0x5e: {  	_ =	shalt  }
0x5f: {  	_ =	shalt  }
0x60: {  	_ =	shalt  }
0x61: {  	_ =	shalt  }
0x62: {  	_ =	shalt  }
0x63: {  	_ =	shalt  }
0x64: {  	_ =	shalt  }
0x65: {  	_ =	shalt  }
0x66: {  	_ =	shalt  }
0x67: {  	_ =	shalt  }
0x68: {  	_ =	shalt  }
0x69: {  	_ =	shalt  }
0x6a: {  	_ =	shalt  }
0x6b: {  	_ =	shalt  }
0x6c: {  	_ =	shalt  }
0x6d: {  	_ =	shalt  }
0x6e: {  	_ =	shalt  }
0x6f: {  	_ =	shalt  }
0x70: {  	_ =	shalt  }
0x71: {  	_ =	shalt  }
0x72: {  	_ =	shalt  }
0x73: {  	_ =	shalt  }
0x74: {  	_ =	shalt  }
0x75: {  	_ =	shalt  }
0x76: {  	_ =	shalt  }
0x77: {  	_ =	shalt  }
0x78: {  	_ =	shalt  }
0x79: {  	_ =	shalt  }
0x7a: {  	_ =	shalt  }
0x7b: {  	_ =	shalt  }
0x7c: {  	_ =	shalt  }
0x7d: {  	_ =	shalt  }
0x7e: {  	_ =	shalt  }
0x7f: {  	_ =	shalt  }
0x80: {  	_ =	shalt  }
0x81: {  	_ =	shalt  }
0x82: {  	_ =	shalt  }
0x83: {  	_ =	shalt  }
0x84: {  	_ =	shalt  }
0x85: {  	_ =	shalt  }
0x86: {  	_ =	shalt  }
0x87: {  	_ =	shalt  }
.Lfunc_end0:
.L_simem_size_0:
called_computation_lowered:
.L_overlay_start_0:
0x88: {  	s2 =	sld [smem:$0x3FD9]  }
0x89: {  	s3 =	sld [smem:$0x3FFE];
	_ =	sdelay $0x1  }
0x8a: {  	s1 =	srdreg.scid  }
0x8b: {  	s0 =	sand.u32 $0x1, s1  }
0x8c: {  	s17 =	sshll.u32 s0, $0xA;
	s2 =	sadd.s32 s3, s2  }
0x8d: {  	s2 =	sadd.s32 s2, s17  }
0x8e: {  	[smem:$0x3FBE] =	sst s2  }
0x8f: {  	_ = 	snop  }
0x90: {  	s2 =	sld [smem:$0x3FD0];
	(tm) =	ssettm $0x1  }
0x91: {  	s18 =	sld [smem:$0x3FFB];
	_ =	sdelay $0x3  }
0x92: {  	_ =	strace s18  }
0x93: {  	s3 =	sld [smem:$0x3FFC];
	_ =	sdelay $0x3  }
0x94: {  	_ =	strace s3  }
0x95: {  	s3 =	sld [smem:$0x3FFD];
	_ =	sdelay $0x3  }
0x96: {  	_ =	strace s3  }
0x97: {  	_ =	strace $0x8FFFFFFF  }
0x98: {  	s19 =	sld [smem:$0x3FDB];
	_ =	sdelay $0x1  }
0x99: {  	s4 =	simm.s32 $_scs_section_size  }
0x9a: {  	s5 =	simm.s32 $_size__tile_overlayer_lowered;
	s6 =	simm.s32 $_tile_overlayer_lowered  }
0x9b: {  	s22 =	simm.s32 $0x1BFF;
	s21 =	sshll.u32 s6, $0x1;
	s3 =	sadd.s32 s4, s19  }
0x9c: {  	s7 =	simm.s32 $0x0;
	s20 =	sshll.u32 s5, $0x1;
	s5 =	sadd.s32 s21, s3  }
0x9d: {  	[timem:s7], [sflag:s22] =	dma.local [hbm:s5], s20  }
0x9e: {  	_ =	swait.ge [sflag:s22], s20  }
0x9f: {  	s4 =	ssub.s32 $0x0, s20;
	[sflag:s22] =	ssyncset.done $0x0  }
0xa0: {  	[sflag:s22] =	ssyncadd.s32 s4;
	_ =	sdelay $0x1  }
0xa1: {  	s23 =	simm.s32 $0x1B8B  }
0xa2: {  	_ =	swait.ge [sflag:s23], $0x1  }
0xa3: {  	[sflag:s23] =	ssyncset.done $0x0  }
0xa4: {  	s25 =	simm.s32 $0x1B8E;
	s24 =	sld [smem:$0x3FFE];
	[sflag:s23] =	ssyncadd.s32 $0xFFFFFFFF  }
0xa5: {  	s26 =	simm.s32 $execute0_lowered;
	[smem:$0x3FD2] =	sst s25  }
0xa6: {  	s5 =	sshll.u32 s26, $0x1;
	_ =	strace $0x80000046;
	[dreg:$0x1] =	wrdreg $0xFFFFFFFF  }
0xa7: {  	s28 =	simm.s32 $_size_execute0_lowered;
	s3 =	sadd.s32 s3, s5;
	[dreg:$0x0] =	wrdreg $0x0  }
0xa8: {  	s5 =	sshll.u32 s28, $0x1;
	[dreg:$0x2] =	wrdreg s3  }
0xa9: {  	[dreg:$0x3] =	wrdreg s5  }
0xaa: {  	[dreg:$0x4] =	wrdreg $0xC0  }
0xab: {  	_ =	task [dreg:s7], $0x5FFFF  }
0xac: {  	[dreg:$0x1] =	wrdreg $0xFFFFFFFF  }
0xad: {  	[dreg:$0x0] =	wrdreg $0x60  }
0xae: {  	[dreg:$0x2] =	wrdreg s24  }
0xaf: {  	[dreg:$0x3] =	wrdreg s2  }
0xb0: {  	[dreg:$0x4] =	wrdreg $0x9  }
0xb1: {  	_ =	task.clear_ibuf [dreg:s7], $0x5FFFF;
	_ =	strace $0x90000046  }
0xb2: {  	s29 =	simm.s32 $0x9;
	_ =	strace $0x80000048  }
0xb3: {  	_ =	swait.ge [sflag:s29], $0x1  }
0xb4: {  	[sflag:s29] =	ssyncadd.s32 $0xFFFFFFFF  }
0xb5: {  	_ =	strace $0x90000048  }
0xb6: {  	_ =	sfence  }
0xb7: {  	s30 =	sld [smem:$0x0];
	_ =	sdelay $0x2  }
0xb8: {  	s31 =	sshll.u32 s1, $0xD;
	s1 =	sshrl.u32 s1, $0x2  }
0xb9: {  	s3 =	sand.u32 $0x4000, s31;
	s1 =	sadd.s32 s1, s30  }
0xba: {  	s0 =	sor.u32 s3, s0;
	s1 =	sshll.u32 s1, $0x11  }
0xbb: {  	s0 =	sor.u32 s1, s0  }
0xbc: {  	s0 =	sadd.s32 $0x8F2B, s0  }
0xbd: {  	[sflag:s0] =	ssyncadd.remote.s32 $0x1  }
0xbe: {  	_ =	sfence.sel $0xFFFF  }
0xbf: {  	[dreg:$0x0] =	wrdreg $0xFFFFFFFF;
	(pc) =	sbr.abs _section_cstart, $3  }
0xc0: {  	[dreg:$0x1] =	wrdreg $0xFFFFFFFF  }
0xc1: {  	_ =	task.clear_ibuf [dreg:s7], $0x2FFFF;
	_ =	strace $0x9FFFFFFF  }
0xc2: {  	(tm) =	ssettm $0x7FFFFFFF  }
0xc3: {  	_ =	shalt  }
tec
execute0_lowered:
.L_overlay_start_1:
0x0: {  	(tag) =	ssettag $0x1  }
0x1: {  	s1 =	rddreg [dreg:$0x0]  }
0x2: {  	s2 =	rddreg [dreg:$0x1];
	s4 =	simm.s32 $0x0;
	s5 =	srdreg.scid  }
0x3: {  	s3 =	stileid.u32;
	s14 =	simm.s32 $0x2;
	s16 =	simm.s32 $0x18800  }
0x4: {  	s17 =	simm.s32 $0x18880;
	s18 =	simm.s32 $0x1;
	s19 =	simm.s32 $0x18900  }
0x5: {  	s20 =	simm.s32 $0x18980;
	s21 =	simm.s32 $0x18A00;
	s22 =	simm.s32 $0x18B00  }
0x6: {  	s23 =	simm.s32 $0x0;
	[smem:$0x7FF] =	sst s4;
	s10 =	sand.u32 $0x1, s5  }
0x7: {  	s7 =	sshll.u32 s3, $0x1;
	s5 =	sadd.s32 $0x61C00, s1;
	s6 =	sadd.s32 $0xC9C00, s1  }
0x8: {  	s8 =	sadd.s32 $0xC3800, s1;
	s9 =	sadd.s32 $0xCCE00, s1;
	_ =	strace $0x80000047  }
.Ltmp0:
0x9: {  	s11 =	sor.u32 s10, s7;
	s10 =	ssub.s32 $0x2, s10;
	(pc) =	sbr.rel .LBB2_1-.Ltmp0, $4  }
0xa: {  	s15 =	smul.u32 $0x186A0, s11;
	s11 =	sshll.u32 s11, $0x7;
	s12 =	sshrl.u32 s10, $0x1  }
0xb: {  	v1 =	vimm.f32 $0.0e+00;
	s7 =	sadd.s32 $0xC6A00, s1;
	s11 =	sadd.s32 s11, s1;
	s12 =	ssub.s32 s10, s12  }
0xc: {  	v2 =	vimm.s32 $0x0;
	v3 =	vlaneseq.u32;
	vm0 =	vmmov $0xffff;
	s13 =	sshrl.u32 s15, $0x3;
	s11 =	sadd.s32 $0xCD000, s11;
	s12 =	smax.u32 s12, $0x1  }
0xd: {  	v4 =	vor.u32 $0x18680, v3;
	v5 =	vor.u32 $0x18690, v3;
	v0 =	vmov s15;
	s15 =	simm.s32 $0x18780;
	s10 =	sadd.s32 s5, s13;
	s13 =	simm.s32 $0x18700  }
.LBB2_9:
0xe: {  	s23 =	sadd.s32 $0x1, s23  }
0xf: {  	p0 =	sne.s32 s23, s12  }
.Ltmp1:
0x10: {  	_ = 	snop;
	(pc) =	sbr.rel @!p0 .LBB2_10-.Ltmp1, $4  }
0x11: {  	[hbm4b:s11+s4] =	stream.linear.scatter [tilespmem:s22], [sflag:$0x2], $0x400, $0x38;
	[tilespmem:$0x18F00] =	vst v63  }
0x12: {  	_ =	swait.ge [sflag:s14], $0x400  }
0x13: {  	[sflag:s14] =	ssyncset.done $0x0  }
0x14: {  	[sflag:s14] =	ssyncadd.s32 $0xFFFFFC00  }
.LBB2_1:
0x15: {  	[tilespmem:s13], [sflag:$0x2] =	stream.linear.gather [hbm4b:s2+s4], $0x80, $0x38;
	[tilespmem:$0x18F00] =	vst v63  }
0x16: {  	_ =	swait.ge [sflag:s14], $0x80  }
0x17: {  	[sflag:s14] =	ssyncset.done $0x0  }
0x18: {  	[sflag:s14] =	ssyncadd.s32 $0xFFFFFF80  }
0x19: {  	[tilespmem:s15], [sflag:$0x2] =	stream.linear.gather [hbm4b:s9+s4], $0x80, $0x38;
	[tilespmem:$0x18F00] =	vst v63  }
0x1a: {  	_ =	swait.ge [sflag:s14], $0x80  }
0x1b: {  	[sflag:s14] =	ssyncset.done $0x0  }
0x1c: {  	[sflag:s14] =	ssyncadd.s32 $0xFFFFFF80  }
0x1d: {  	[tilespmem:s4], [sflag:$0x2] =	stream.linear.gather [hbm4b:s10+s4], $0x186A0, $0x38;
	[tilespmem:$0x18F00] =	vst v63  }
0x1e: {  	_ =	swait.ge [sflag:s14], $0x186A0  }
0x1f: {  	[sflag:s14] =	ssyncset.done $0x0  }
0x20: {  	[sflag:s14] =	ssyncadd.s32 $0xFFFE7960  }
0x21: {  	[tilespmem:$0x18B00] =	vst v1  }
0x22: {  	[tilespmem:$0x18B80] =	vst v1  }
0x23: {  	[tilespmem:$0x18C00] =	vst v1  }
0x24: {  	[tilespmem:$0x18C80] =	vst v1  }
0x25: {  	[tilespmem:$0x18D00] =	vst v1  }
0x26: {  	[tilespmem:$0x18D80] =	vst v1  }
0x27: {  	v6 =	vld [tilespmem:$0x18700];
	[tilespmem:$0x18E00] =	vst v1  }
0x28: {  	s24 =	simm.s32 $0x40;
	v7 =	vld [tilespmem:$0x18780];
	[tilespmem:$0x18E80] =	vst v1  }
0x29: {  	v8 =	vld [tilespmem:s24+$0xFFFFFFC0]  }
0x2a: {  	v9 =	vld [tilespmem:s24+$0x30]  }
0x2b: {  	v12 =	vld [tilespmem:s24+$0x20]  }
0x2c: {  	v13 =	vld [tilespmem:s24+$0x10]  }
0x2d: {  	v14 =	vld [tilespmem:s24+$0x0]  }
0x2e: {  	v18 =	vld [tilespmem:s24+$0xFFFFFFE0]  }
0x2f: {  	v17 =	vld [tilespmem:s24+$0xFFFFFFF0]  }
0x30: {  	v15 =	vimm.s32 $0xFFFFFFFF;
	v16 =	vxor.u32 v6, v8;
	v8 =	vxor.u32 v7, v8  }
0x31: {  	v10 =	vxor.u32 v6, v9;
	v11 =	vxor.u32 v7, v9;
	v9 =	vxor.u32 v6, v12  }
0x32: {  	v12 =	vxor.u32 v7, v12;
	v19 =	vxor.u32 v6, v13;
	v13 =	vxor.u32 v7, v13  }
0x33: {  	v21 =	vxor.u32 v7, v14;
	v14 =	vxor.u32 v6, v14;
	v22 =	vxor.u32 v6, v18  }
0x34: {  	v23 =	vxor.u32 v6, v17;
	v17 =	vxor.u32 v7, v17;
	vm1 =	vlt.s32 v16, v8  }
0x35: {  	v18 =	vxor.u32 v7, v18;
	vm4 =	vlt.s32 v14, v21;
	v8 =	vsel vm1, v16, v8;
	v16 =	vld [tilespmem:s24+$0xFFFFFFD0]  }
0x36: {  	vm2 =	vlt.s32 v9, v12;
	vm5 =	vlt.s32 v22, v18;
	vm1 =	veq.s32 v8, v2  }
0x37: {  	v14 =	vsel vm4, v14, v21;
	v8 =	vor.u32 v2, v8;
	v20 =	vsel vm1, $0x1, v2  }
0x38: {  	vm3 =	veq.s32 v8, v2;
	vm1 =	vlt.s32 v10, v11;
	v8 =	vsel vm2, v9, v12  }
0x39: {  	v20 =	vadd.s32 v20, v2;
	vm2 =	veq.s32 v8, v2;
	v15 =	vsel vm3, s4, v15  }
0x3a: {  	vm3 =	vlt.s32 v19, v13;
	v24 =	vxor.u32 v6, v16;
	v12 =	vxor.u32 v7, v16  }
0x3b: {  	v9 =	vsel vm3, v19, v13;
	v16 =	vsel vm5, v22, v18;
	vm11 =	vlt.s32 v24, v12  }
0x3c: {  	vm3 =	vlt.s32 v23, v17;
	vm6 =	veq.s32 v16, v2;
	v12 =	vsel vm11, v24, v12  }
0x3d: {  	vm12 =	veq.s32 v9, v2;
	v13 =	vsel vm6, $0x1, v2;
	vm5 =	veq.s32 v12, v2  }
0x3e: {  	v62 =	vor.u32 v20, v12;
	v12 =	vsel vm3, v23, v17;
	v17 =	vsel vm5, $0x1, v2  }
0x3f: {  	vm3 =	veq.s32 v12, v2;
	vm13 =	veq.s32 v62, v2;
	v17 =	vadd.s32 v17, v20  }
0x40: {  	s28 =	simm.s32 $0x1;
	v63 =	vsel vm3, $0x1, v2;
	vm3 =	veq.s32 v14, v2;
	v16 =	vor.u32 v17, v16  }
0x41: {  	v15 =	vsel vm13, s28, v15;
	v13 =	vadd.s32 v13, v17;
	vm14 =	veq.s32 v16, v2  }
0x42: {  	s29 =	simm.s32 $0x2;
	v12 =	vor.u32 v13, v12;
	v13 =	vadd.s32 v63, v13;
	v16 =	vsel vm3, $0x1, v2  }
0x43: {  	s30 =	simm.s32 $0x3;
	v15 =	vsel vm14, s29, v15;
	vm15 =	veq.s32 v12, v2;
	v12 =	vor.u32 v13, v14  }
0x44: {  	s31 =	simm.s32 $0x4;
	v14 =	vsel vm2, $0x1, v2;
	v15 =	vsel vm15, s30, v15;
	vm2 =	veq.s32 v12, v2  }
0x45: {  	s25 =	simm.s32 $0x8;
	s26 =	simm.s32 $0xC0;
	s24 =	simm.s32 $0x0;
	v13 =	vadd.s32 v16, v13;
	v12 =	vsel vm2, s31, v15;
	v15 =	vsel vm12, $0x1, v2  }
.LBB2_2:
0x46: {  	v16 =	vld [tilespmem:s26+$0xFFFFFFC0];
	p0 =	slt.u32 s25, $0x1860;
	v9 =	vor.u32 v13, v9;
	v13 =	vadd.s32 v15, v13;
	v10 =	vsel vm1, v10, v11;
	s28 =	smov.u32 s25;
	s25 =	sadd.s32 $0x8, s25  }
0x47: {  	s29 =	sadd.s32 $0x5, s24;
	v11 =	vld [tilespmem:s26+$0x30];
	vm1 =	veq.s32 v9, v2;
	v8 =	vor.u32 v13, v8;
	v9 =	vadd.s32 v14, v13  }
0x48: {  	v13 =	vld [tilespmem:s26+$0x20];
	v12 =	vsel vm1, s29, v12;
	s29 =	sadd.s32 $0x6, s24;
	vm1 =	veq.s32 v8, v2;
	v8 =	vor.u32 v9, v10  }
0x49: {  	v14 =	vld [tilespmem:s26+$0x10];
	v12 =	vsel vm1, s29, v12;
	vm1 =	veq.s32 v10, v2;
	s29 =	sadd.s32 $0x7, s24;
	vm2 =	veq.s32 v8, v2;
	s24 =	smov.u32 s28  }
0x4a: {  	v8 =	vld [tilespmem:s26+$0x0];
	v12 =	vsel vm2, s29, v12;
	v10 =	vsel vm1, $0x1, v2  }
0x4b: {  	v15 =	vxor.u32 v6, v16;
	v16 =	vxor.u32 v7, v16;
	v17 =	vld [tilespmem:s26+$0xFFFFFFF0];
	v9 =	vadd.s32 v10, v9  }
0x4c: {  	vm1 =	vlt.s32 v15, v16;
	v18 =	vld [tilespmem:s26+$0xFFFFFFE0];
	v10 =	vxor.u32 v6, v11;
	v11 =	vxor.u32 v7, v11  }
0x4d: {  	v15 =	vsel vm1, v15, v16;
	v16 =	vxor.u32 v6, v13;
	v13 =	vxor.u32 v7, v13  }
0x4e: {  	vm1 =	veq.s32 v15, v2;
	v19 =	vld [tilespmem:s26+$0xFFFFFFD0];
	v20 =	vxor.u32 v6, v14;
	v14 =	vxor.u32 v7, v14  }
0x4f: {  	v15 =	vor.u32 v9, v15;
	v21 =	vsel vm1, $0x1, v2;
	v22 =	vxor.u32 v7, v8  }
0x50: {  	vm4 =	veq.s32 v15, v2;
	v15 =	vadd.s32 v21, v9;
	v21 =	vxor.u32 v6, v8  }
0x51: {  	vm1 =	vlt.s32 v10, v11;
	v23 =	vxor.u32 v6, v17;
	v9 =	vxor.u32 v6, v18  }
0x52: {  	vm2 =	vlt.s32 v16, v13;
	v17 =	vxor.u32 v7, v17;
	vm3 =	vlt.s32 v21, v22  }
0x53: {  	v8 =	vsel vm2, v16, v13;
	v18 =	vxor.u32 v7, v18;
	v24 =	vxor.u32 v6, v19  }
0x54: {  	vm2 =	veq.s32 v8, v2;
	vm5 =	vlt.s32 v9, v18;
	v13 =	vxor.u32 v7, v19  }
0x55: {  	v12 =	vsel vm4, s24, v12;
	vm4 =	vlt.s32 v20, v14;
	v16 =	vsel vm5, v9, v18  }
0x56: {  	v9 =	vsel vm4, v20, v14;
	vm5 =	vlt.s32 v24, v13;
	vm6 =	veq.s32 v16, v2  }
0x57: {  	vm4 =	vlt.s32 v23, v17;
	v13 =	vsel vm5, v24, v13;
	v14 =	vsel vm6, $0x1, v2  }
0x58: {  	v18 =	vor.u32 v15, v13;
	vm5 =	veq.s32 v13, v2;
	v13 =	vsel vm4, v23, v17  }
0x59: {  	v17 =	vsel vm5, $0x1, v2;
	vm4 =	veq.s32 v13, v2;
	vm5 =	veq.s32 v9, v2  }
0x5a: {  	vm6 =	veq.s32 v18, v2;
	v15 =	vadd.s32 v17, v15;
	v17 =	vsel vm3, v21, v22  }
0x5b: {  	s28 =	sadd.s32 $0x1, s24;
	v18 =	vsel vm4, $0x1, v2;
	v16 =	vor.u32 v15, v16;
	vm3 =	veq.s32 v17, v2  }
.Ltmp2:
0x5c: {  	v12 =	vsel vm6, s28, v12;
	s28 =	sadd.s32 $0x2, s24;
	v14 =	vadd.s32 v14, v15;
	vm4 =	veq.s32 v16, v2;
	(pc) =	sbr.rel @p0 .LBB2_2-.Ltmp2, $4  }
0x5d: {  	v13 =	vor.u32 v14, v13;
	v15 =	vadd.s32 v18, v14;
	v12 =	vsel vm4, s28, v12  }
0x5e: {  	v14 =	vsel vm2, $0x1, v2;
	s28 =	sadd.s32 $0x3, s24;
	vm4 =	veq.s32 v13, v2;
	v13 =	vor.u32 v15, v17  }
0x5f: {  	v12 =	vsel vm4, s28, v12;
	s28 =	sadd.s32 $0x4, s24;
	vm2 =	veq.s32 v13, v2;
	v13 =	vsel vm3, $0x1, v2  }
0x60: {  	s26 =	sadd.s32 $0x80, s26;
	v12 =	vsel vm2, s28, v12;
	v13 =	vadd.s32 v13, v15;
	v15 =	vsel vm5, $0x1, v2  }
0x61: {  	v16 =	vld [tilespmem:$0x18680]  }
0x62: {  	v17 =	vld [tilespmem:$0x18690];
	_ =	sdelay $0x2  }
0x63: {  	v18 =	vadd.s32 v15, v13;
	v19 =	vsel vm1, v10, v11  }
0x64: {  	v20 =	vadd.s32 v14, v18;
	v10 =	vxor.u32 v6, v16;
	v11 =	vxor.u32 v7, v16  }
0x65: {  	v14 =	vxor.u32 v6, v17;
	v15 =	vxor.u32 v7, v17;
	vm1 =	vlt.s32 v10, v11  }
0x66: {  	vm2 =	vlt.s32 v14, v15;
	v10 =	vsel vm1, v10, v11;
	vm1 =	veq.s32 v19, v2  }
0x67: {  	v11 =	vsel vm2, v14, v15;
	v16 =	vsel vm1, $0x1, v2;
	vm1 =	veq.s32 v10, $0x0  }
0x68: {  	v15 =	vadd.s32 v16, v20;
	v14 =	vsel vm1, $0x1, v2;
	vm1 =	veq.s32 v11, $0x0  }
0x69: {  	v16 =	vadd.s32 v14, v15;
	v14 =	vsel vm1, $0x1, v2  }
0x6a: {  	v14 =	vadd.s32 v14, v16  }
0x6b: {  	(v2sf) =	vpush v14, $0x0  }
0x6c: {  	(v2sf) =	vpush v14, $0x1;
	_ =	sdelay $0x1  }
0x6d: {  	(v2sf) =	vpush v14, $0x2;
	_ =	sdelay $0x1  }
0x6e: {  	(v2sf) =	vpush v14, $0x3;
	_ =	sdelay $0x1  }
0x6f: {  	(v2sf) =	vpush v14, $0x4;
	_ =	sdelay $0x1  }
0x70: {  	(v2sf) =	vpush v14, $0x5;
	_ =	sdelay $0x1  }
0x71: {  	(v2sf) =	vpush v14, $0x6;
	_ =	sdelay $0x1  }
0x72: {  	(v2sf) =	vpush v14, $0x7;
	_ =	sdelay $0x1  }
0x73: {  	s25 =	spop (v2sf);
	(v2sf) =	vpush v14, $0x8  }
0x74: {  	s26 =	spop (v2sf)  }
0x75: {  	(v2sf) =	vpush v14, $0x9;
	p0 =	sgt.s32 s25, s26  }
0x76: {  	s26 =	smov.u32 @p0 s25;
	s25 =	spop (v2sf)  }
0x77: {  	(v2sf) =	vpush v14, $0xA;
	p0 =	sgt.s32 s26, s25  }
0x78: {  	s25 =	smov.u32 @p0 s26;
	s26 =	spop (v2sf)  }
0x79: {  	(v2sf) =	vpush v14, $0xB;
	p0 =	sgt.s32 s25, s26  }
0x7a: {  	s26 =	smov.u32 @p0 s25;
	s25 =	spop (v2sf)  }
0x7b: {  	(v2sf) =	vpush v14, $0xC;
	p0 =	sgt.s32 s26, s25  }
0x7c: {  	s25 =	smov.u32 @p0 s26;
	s26 =	spop (v2sf)  }
0x7d: {  	(v2sf) =	vpush v14, $0xD;
	p0 =	sgt.s32 s25, s26  }
0x7e: {  	s26 =	smov.u32 @p0 s25;
	s25 =	spop (v2sf)  }
0x7f: {  	(v2sf) =	vpush v14, $0xE;
	p0 =	sgt.s32 s26, s25  }
0x80: {  	s25 =	smov.u32 @p0 s26;
	s26 =	spop (v2sf)  }
0x81: {  	(v2sf) =	vpush v14, $0xF;
	p0 =	sgt.s32 s25, s26  }
0x82: {  	s28 =	spop (v2sf);
	s26 =	smov.u32 @p0 s25  }
0x83: {  	p0 =	sgt.s32 s26, s28  }
0x84: {  	s25 =	spop (v2sf);
	s28 =	smov.u32 @p0 s26  }
0x85: {  	p0 =	sgt.s32 s28, s25  }
0x86: {  	s26 =	spop (v2sf);
	s25 =	smov.u32 @p0 s28  }
0x87: {  	p0 =	sgt.s32 s25, s26  }
0x88: {  	s28 =	spop (v2sf);
	s26 =	smov.u32 @p0 s25  }
0x89: {  	p0 =	sgt.s32 s26, s28  }
0x8a: {  	s25 =	spop (v2sf);
	s28 =	smov.u32 @p0 s26  }
0x8b: {  	p0 =	sgt.s32 s28, s25  }
0x8c: {  	s26 =	spop (v2sf);
	s25 =	smov.u32 @p0 s28  }
0x8d: {  	p0 =	sgt.s32 s25, s26  }
0x8e: {  	s28 =	spop (v2sf);
	s26 =	smov.u32 @p0 s25  }
0x8f: {  	p0 =	sgt.s32 s26, s28  }
0x90: {  	s25 =	spop (v2sf);
	s28 =	smov.u32 @p0 s26  }
0x91: {  	p0 =	sgt.s32 s28, s25  }
0x92: {  	s25 =	smov.u32 @p0 s28  }
0x93: {  	p0 =	slt.s32 s25, $0x1  }
.Ltmp3:
0x94: {  	v9 =	vor.u32 v13, v9;
	(pc) =	sbr.rel @p0 .LBB2_5-.Ltmp3, $4  }
0x95: {  	s29 =	sadd.s32 $0x5, s24;
	v8 =	vor.u32 v18, v8;
	vm1 =	veq.s32 v9, v2  }
0x96: {  	s30 =	sadd.s32 $0x6, s24;
	v9 =	vsel vm1, s29, v12;
	vm1 =	veq.s32 v8, v2;
	v8 =	vor.u32 v20, v19  }
0x97: {  	s31 =	sadd.s32 $0x7, s24;
	v9 =	vsel vm1, s30, v9;
	vm1 =	veq.s32 v8, v2  }
0x98: {  	v8 =	vsel vm1, s31, v9  }
0x99: {  	v9 =	vor.u32 v15, v10;
	v8 =	vshll.u32 v8, $0x4  }
0x9a: {  	v48 =	vor.u32 v16, v11;
	vm1 =	veq.s32 v9, $0x0;
	v8 =	vor.u32 v3, v8  }
0x9b: {  	vm2 =	veq.s32 v48, $0x0;
	v8 =	vsel vm1, v4, v8  }
0x9c: {  	v8 =	vsel vm2, v5, v8  }
0x9d: {  	vm1 =	vgt.s32 v14, $0x0;
	v8 =	vadd.s32 v0, v8  }
0x9e: {  	v8 =	vnsel vm1, $0x0, v8;
	_ =	sdelay $0x4  }
0x9f: {  	[tilespmem:s16], [sflag:$0x1] =	stream.indirect_vreg.gather [hbm4b:s1+s4], $0x1, v8, vm0, $0xb8;
	[tilespmem:$0x18F00] =	vst v63  }
0xa0: {  	_ = 	snop  }
0xa1: {  	[tilespmem:s17], [sflag:$0x1] =	stream.indirect_vreg.gather [hbm4b:s5+s4], $0x1, v8, vm0, $0xb8;
	[tilespmem:$0x18F00] =	vst v63  }
0xa2: {  	_ =	swait.ge [sflag:s18], $0x10  }
0xa3: {  	[sflag:s18] =	ssyncset.done $0x0  }
0xa4: {  	[sflag:s18] =	ssyncadd.s32 $0xFFFFFFF0  }
0xa5: {  	_ =	swait.ge [sflag:s18], $0x10  }
0xa6: {  	[sflag:s18] =	ssyncset.done $0x0  }
0xa7: {  	[sflag:s18] =	ssyncadd.s32 $0xFFFFFFF0  }
0xa8: {  	v8 =	vld [tilespmem:$0x18800];
	_ =	sdelay $0x4  }
0xa9: {  	v8 =	vnsel vm1, $0x0, v8;
	_ =	sdelay $0x4  }
0xaa: {  	v49 =	vld [tilespmem:$0x18880];
	[tilespmem:s19], [sflag:$0x1] =	stream.indirect_vreg.gather [hbm4b:s6+s4], $0x1, v8, vm0, $0xb8  }
0xab: {  	_ = 	snop  }
0xac: {  	[tilespmem:s20], [sflag:$0x1] =	stream.indirect_vreg.gather [hbm4b:s7+s4], $0x1, v8, vm0, $0xb8;
	[tilespmem:$0x18F00] =	vst v63  }
0xad: {  	_ = 	snop  }
0xae: {  	[tilespmem:s21], [sflag:$0x1] =	stream.indirect_vreg.gather [hbm4b:s8+s4], $0x1, v8, vm0, $0xb8;
	[tilespmem:$0x18F00] =	vst v63  }
0xaf: {  	_ =	swait.ge [sflag:s18], $0x10  }
0xb0: {  	[sflag:s18] =	ssyncset.done $0x0  }
0xb1: {  	[sflag:s18] =	ssyncadd.s32 $0xFFFFFFF0  }
0xb2: {  	_ =	swait.ge [sflag:s18], $0x10  }
0xb3: {  	[sflag:s18] =	ssyncset.done $0x0  }
0xb4: {  	[sflag:s18] =	ssyncadd.s32 $0xFFFFFFF0  }
0xb5: {  	_ =	swait.ge [sflag:s18], $0x10  }
0xb6: {  	[sflag:s18] =	ssyncset.done $0x0  }
0xb7: {  	[sflag:s18] =	ssyncadd.s32 $0xFFFFFFF0  }
0xb8: {  	v8 =	vld [tilespmem:$0x18B00]  }
0xb9: {  	v50 =	vld [tilespmem:$0x18900]  }
0xba: {  	v51 =	vld [tilespmem:$0x18C80]  }
0xbb: {  	v12 =	vld [tilespmem:$0x18900]  }
0xbc: {  	v13 =	vld [tilespmem:$0x18B80]  }
0xbd: {  	v52 =	vld [tilespmem:$0x18980]  }
0xbe: {  	v53 =	vld [tilespmem:$0x18D00]  }
0xbf: {  	v54 =	vld [tilespmem:$0x18980]  }
0xc0: {  	v9 =	vnsel vm1, $0xFFFFFFFF, v49;
	v18 =	vld [tilespmem:$0x18A00]  }
0xc1: {  	vm1 =	veq.s32 v9, v6;
	v56 =	vld [tilespmem:$0x18A00]  }
0xc2: {  	vm2 =	veq.s32 v9, v7;
	v58 =	vld [tilespmem:$0x18D80];
	v55 =	vnsel vm1, $0x0, v50  }
0xc3: {  	v17 =	vld [tilespmem:$0x18C00];
	v57 =	vnsel vm2, $0x0, v12;
	v8 =	vadd.f32 v55, v8  }
0xc4: {  	v60 =	vnsel vm2, $0x0, v54;
	v9 =	vadd.f32 v57, v51  }
0xc5: {  	v59 =	vnsel vm1, $0x0, v52;
	v61 =	vadd.f32 v60, v53;
	[tilespmem:$0x18B00] =	vst v8  }
0xc6: {  	v10 =	vnsel vm2, $0x0, v56;
	v8 =	vadd.f32 v59, v13;
	[tilespmem:$0x18C80] =	vst v9  }
0xc7: {  	v62 =	vnsel vm1, $0x0, v18;
	v63 =	vadd.f32 v10, v58;
	[tilespmem:$0x18D00] =	vst v61  }
0xc8: {  	[tilespmem:$0x18B80] =	vst v8;
	v8 =	vadd.f32 v62, v17  }
0xc9: {  	[tilespmem:$0x18D80] =	vst v63  }
0xca: {  	[tilespmem:$0x18C00] =	vst v8  }
.LBB2_5:
0xcb: {  	s24 =	sadd.s32 $0xFFFFFFFF, s25  }
0xcc: {  	p0 =	slt.s32 s24, $0x1  }
.Ltmp4:
0xcd: {  	_ = 	snop;
	(pc) =	sbr.rel @p0 .LBB2_9-.Ltmp4, $2  }
0xce: {  	_ =	sdelay $0x2  }
0xcf: {  	s25 =	simm.s32 $0x0;
	s26 =	simm.s32 $0x0  }
.LBB2_6:
0xd0: {  	s28 =	simm.s32 $0x40  }
0xd1: {  	v9 =	vld [tilespmem:s28+$0xFFFFFFD0]  }
0xd2: {  	v10 =	vld [tilespmem:s28+$0x30]  }
0xd3: {  	v11 =	vld [tilespmem:s28+$0x20]  }
0xd4: {  	v12 =	vld [tilespmem:s28+$0x10]  }
0xd5: {  	v13 =	vld [tilespmem:s28+$0xFFFFFFF0]  }
0xd6: {  	s26 =	sadd.s32 $0x1, s26;
	v15 =	vld [tilespmem:s28+$0x0]  }
0xd7: {  	v16 =	vimm.s32 $0x0;
	v8 =	vmov s26;
	v20 =	vld [tilespmem:s28+$0xFFFFFFC0]  }
0xd8: {  	v14 =	vimm.s32 $0xFFFFFFFF;
	vm2 =	veq.s32 v16, v8;
	v17 =	vxor.u32 v6, v9  }
0xd9: {  	v9 =	vxor.u32 v7, v9;
	v19 =	vxor.u32 v6, v10;
	v21 =	vxor.u32 v6, v11  }
0xda: {  	v10 =	vxor.u32 v7, v10;
	v61 =	vxor.u32 v6, v12;
	v12 =	vxor.u32 v7, v12  }
0xdb: {  	v18 =	vld [tilespmem:s28+$0xFFFFFFE0];
	v22 =	vxor.u32 v6, v13;
	v13 =	vxor.u32 v7, v13;
	v24 =	vxor.u32 v6, v15  }
0xdc: {  	v25 =	vxor.u32 v7, v20;
	v15 =	vxor.u32 v7, v15;
	v11 =	vxor.u32 v7, v11  }
0xdd: {  	v20 =	vxor.u32 v6, v20;
	vm1 =	vlt.s32 v17, v9;
	vm3 =	vlt.s32 v22, v13  }
0xde: {  	vm5 =	vlt.s32 v24, v15;
	vm6 =	vlt.s32 v19, v10;
	vm7 =	vlt.s32 v61, v12  }
0xdf: {  	v9 =	vsel vm1, v17, v9;
	v15 =	vsel vm5, v24, v15;
	vm5 =	vlt.s32 v21, v11  }
0xe0: {  	vm4 =	veq.s32 v9, v2;
	v9 =	vxor.u32 v6, v18;
	v18 =	vxor.u32 v7, v18  }
0xe1: {  	v10 =	vsel vm6, v19, v10;
	v13 =	vsel vm3, v22, v13;
	vm1 =	vlt.s32 v9, v18  }
0xe2: {  	v12 =	vsel vm7, v61, v12;
	v9 =	vsel vm1, v9, v18;
	vm1 =	vlt.s32 v20, v25  }
0xe3: {  	v11 =	vsel vm5, v21, v11;
	vm3 =	veq.s32 v15, v2;
	v62 =	vsel vm1, v20, v25  }
0xe4: {  	v23 =	vsel vm4, $0x1, v2;
	v15 =	vsel vm3, $0x1, v2;
	vm5 =	veq.s32 v62, v2  }
0xe5: {  	vm1 =	veq.s32 v10, v2;
	vm2 =	vmand vm5, vm2;
	v10 =	vsel vm5, $0x1, v2  }
0xe6: {  	vm6 =	veq.s32 v9, v2;
	v14 =	vsel vm2, s25, v14;
	v10 =	vadd.s32 v10, v16  }
0xe7: {  	vm2 =	veq.s32 v11, v2;
	vm5 =	veq.s32 v10, v8;
	v11 =	vadd.s32 v23, v10  }
0xe8: {  	s28 =	simm.s32 $0x1;
	v63 =	vsel vm6, $0x1, v2;
	vm4 =	vmand vm4, vm5;
	vm5 =	veq.s32 v11, v8  }
0xe9: {  	v10 =	vsel vm4, s28, v14;
	vm4 =	vmand vm6, vm5;
	vm5 =	veq.s32 v13, v2  }
0xea: {  	v9 =	vsel vm1, $0x1, v2;
	v11 =	vadd.s32 v63, v11;
	s28 =	simm.s32 $0x2;
	v13 =	vsel vm5, $0x1, v2  }
0xeb: {  	v10 =	vsel vm4, s28, v10;
	vm4 =	veq.s32 v11, v8;
	v11 =	vadd.s32 v13, v11  }
0xec: {  	s29 =	simm.s32 $0x8;
	s30 =	simm.s32 $0xC0;
	s28 =	simm.s32 $0x0;
	vm4 =	vmand vm5, vm4;
	vm5 =	veq.s32 v11, v8;
	v11 =	vadd.s32 v15, v11  }
.LBB2_7:
0xed: {  	v13 =	vld [tilespmem:s30+$0xFFFFFFD0];
	p0 =	slt.u32 s29, $0x1860;
	vm6 =	veq.s32 v12, v2;
	v12 =	vsel vm2, $0x1, v2;
	s31 =	smov.u32 s29;
	s29 =	sadd.s32 $0x8, s29  }
0xee: {  	s0 =	sadd.s32 $0x3, s28;
	vm3 =	vmand vm3, vm5;
	vm5 =	veq.s32 v11, v8;
	v14 =	vld [tilespmem:s30+$0x30];
	v15 =	vsel vm6, $0x1, v2  }
0xef: {  	v10 =	vsel vm4, s0, v10;
	s0 =	sadd.s32 $0x4, s28;
	vm4 =	vmand vm6, vm5;
	v16 =	vld [tilespmem:s30+$0x20];
	v11 =	vadd.s32 v15, v11  }
0xf0: {  	v10 =	vsel vm3, s0, v10;
	s0 =	sadd.s32 $0x5, s28;
	v15 =	vld [tilespmem:s30+$0x10];
	vm3 =	veq.s32 v11, v8;
	v11 =	vadd.s32 v12, v11  }
0xf1: {  	v10 =	vsel vm4, s0, v10;
	v12 =	vld [tilespmem:s30+$0xFFFFFFF0];
	vm3 =	vmand vm2, vm3;
	v17 =	vadd.s32 v9, v11  }
0xf2: {  	vm4 =	veq.s32 v11, v8;
	vm2 =	veq.s32 v17, v8;
	v9 =	vxor.u32 v6, v13;
	v18 =	vld [tilespmem:s30+$0x0]  }
0xf3: {  	v11 =	vxor.u32 v7, v13;
	vm1 =	vmand vm1, vm4;
	v13 =	vld [tilespmem:s30+$0xFFFFFFE0];
	v19 =	vxor.u32 v6, v14  }
0xf4: {  	vm4 =	vlt.s32 v9, v11;
	v14 =	vxor.u32 v7, v14;
	v20 =	vld [tilespmem:s30+$0xFFFFFFC0];
	v21 =	vxor.u32 v6, v16  }
0xf5: {  	s0 =	sadd.s32 $0x6, s28;
	v9 =	vsel vm4, v9, v11;
	v11 =	vxor.u32 v6, v15;
	v15 =	vxor.u32 v7, v15  }
0xf6: {  	vm4 =	veq.s32 v9, v2;
	v9 =	vsel vm3, s0, v10;
	s0 =	sadd.s32 $0x7, s28;
	s28 =	smov.u32 s31;
	v22 =	vxor.u32 v6, v12  }
0xf7: {  	v10 =	vsel vm4, $0x1, v2;
	v12 =	vxor.u32 v7, v12;
	v23 =	vsel vm1, s0, v9  }
0xf8: {  	vm3 =	vlt.s32 v22, v12;
	v24 =	vxor.u32 v6, v18;
	v9 =	vxor.u32 v6, v13  }
0xf9: {  	v18 =	vxor.u32 v7, v18;
	v13 =	vxor.u32 v7, v13;
	v25 =	vxor.u32 v7, v20  }
0xfa: {  	v16 =	vxor.u32 v7, v16;
	vm5 =	vlt.s32 v24, v18;
	vm1 =	vlt.s32 v9, v13  }
0xfb: {  	v20 =	vxor.u32 v6, v20;
	v9 =	vsel vm1, v9, v13;
	v13 =	vsel vm5, v24, v18  }
0xfc: {  	vm6 =	vlt.s32 v19, v14;
	vm1 =	vlt.s32 v20, v25;
	vm5 =	vlt.s32 v21, v16  }
0xfd: {  	v14 =	vsel vm6, v19, v14;
	v18 =	vsel vm1, v20, v25;
	v16 =	vsel vm5, v21, v16  }
0xfe: {  	vm6 =	veq.s32 v9, v2;
	vm1 =	veq.s32 v14, v2;
	vm5 =	veq.s32 v18, v2  }
0xff: {  	v9 =	vsel vm1, $0x1, v2;
	vm2 =	vmand vm5, vm2;
	v14 =	vsel vm5, $0x1, v2  }
0x100: {  	v18 =	vsel vm2, s28, v23;
	v14 =	vadd.s32 v14, v17;
	v17 =	vsel vm6, $0x1, v2  }
0x101: {  	v12 =	vsel vm3, v22, v12;
	vm2 =	veq.s32 v16, v2;
	vm5 =	veq.s32 v14, v8  }
0x102: {  	vm7 =	vlt.s32 v11, v15;
	vm3 =	veq.s32 v13, v2;
	v14 =	vadd.s32 v10, v14  }
.Ltmp5:
0x103: {  	s0 =	sadd.s32 $0x1, s28;
	v13 =	vsel vm3, $0x1, v2;
	vm4 =	vmand vm4, vm5;
	vm5 =	veq.s32 v14, v8;
	(pc) =	sbr.rel @p0 .LBB2_7-.Ltmp5, $4  }
0x104: {  	v10 =	vsel vm4, s0, v18;
	s0 =	sadd.s32 $0x2, s28;
	vm4 =	vmand vm6, vm5;
	vm5 =	veq.s32 v12, v2  }
0x105: {  	v12 =	vadd.s32 v17, v14;
	v10 =	vsel vm4, s0, v10;
	v14 =	vsel vm5, $0x1, v2  }
0x106: {  	vm4 =	veq.s32 v12, v8;
	v14 =	vadd.s32 v14, v12;
	v12 =	vsel vm7, v11, v15  }
0x107: {  	s30 =	sadd.s32 $0x80, s30;
	vm4 =	vmand vm5, vm4;
	vm5 =	veq.s32 v14, v8;
	v11 =	vadd.s32 v13, v14  }
0x108: {  	v13 =	vld [tilespmem:$0x18680];
	vm6 =	veq.s32 v12, v2;
	v44 =	vsel vm2, $0x1, v2  }
0x109: {  	s0 =	sadd.s32 $0x3, s28;
	vm3 =	vmand vm3, vm5;
	vm13 =	veq.s32 v11, v8;
	v14 =	vsel vm6, $0x1, v2  }
0x10a: {  	s31 =	sadd.s32 $0x4, s28;
	v46 =	vld [tilespmem:$0x18690];
	v10 =	vsel vm4, s0, v10;
	vm14 =	vmand vm6, vm13;
	v45 =	vadd.s32 v14, v11  }
0x10b: {  	s29 =	sadd.s32 $0x5, s28;
	v10 =	vsel vm3, s31, v10;
	vm3 =	veq.s32 v45, v8;
	v11 =	vadd.s32 v44, v45  }
0x10c: {  	v10 =	vsel vm14, s29, v10;
	vm2 =	vmand vm2, vm3;
	vm3 =	veq.s32 v11, v8  }
0x10d: {  	s30 =	sadd.s32 $0x6, s28;
	v9 =	vadd.s32 v9, v11;
	v47 =	vxor.u32 v6, v13;
	v13 =	vxor.u32 v7, v13  }
0x10e: {  	vm1 =	vmand vm1, vm3;
	v10 =	vsel vm2, s30, v10;
	vm15 =	vlt.s32 v47, v13  }
0x10f: {  	s31 =	sadd.s32 $0x7, s28;
	vm2 =	veq.s32 v9, v8;
	v48 =	vxor.u32 v6, v46;
	v13 =	vsel vm15, v47, v13  }
0x110: {  	v12 =	vxor.u32 v7, v46;
	v10 =	vsel vm1, s31, v10;
	vm1 =	veq.s32 v13, $0x0  }
0x111: {  	vm2 =	vmand vm1, vm2;
	v13 =	vsel vm1, $0x1, v2;
	vm1 =	vlt.s32 v48, v12  }
0x112: {  	v10 =	vshll.u32 v10, $0x4;
	v9 =	vadd.s32 v13, v9;
	v11 =	vsel vm1, v48, v12  }
0x113: {  	v10 =	vor.u32 v3, v10;
	vm1 =	veq.s32 v11, $0x0;
	vm3 =	veq.s32 v9, v8  }
0x114: {  	v10 =	vsel vm2, v4, v10;
	vm3 =	vmand vm1, vm3;
	v11 =	vsel vm1, $0x1, v2  }
0x115: {  	v9 =	vadd.s32 v11, v9;
	v10 =	vsel vm3, v5, v10  }
0x116: {  	vm1 =	vgt.s32 v9, v8;
	v8 =	vadd.s32 v0, v10  }
0x117: {  	v8 =	vnsel vm1, $0x0, v8;
	_ =	sdelay $0x4  }
0x118: {  	[tilespmem:s16], [sflag:$0x1] =	stream.indirect_vreg.gather [hbm4b:s1+s4], $0x1, v8, vm0, $0xb8;
	[tilespmem:$0x18F00] =	vst v63  }
0x119: {  	_ = 	snop  }
0x11a: {  	[tilespmem:s17], [sflag:$0x1] =	stream.indirect_vreg.gather [hbm4b:s5+s4], $0x1, v8, vm0, $0xb8;
	[tilespmem:$0x18F00] =	vst v63  }
0x11b: {  	_ =	swait.ge [sflag:s18], $0x10  }
0x11c: {  	[sflag:s18] =	ssyncset.done $0x0  }
0x11d: {  	[sflag:s18] =	ssyncadd.s32 $0xFFFFFFF0  }
0x11e: {  	_ =	swait.ge [sflag:s18], $0x10  }
0x11f: {  	[sflag:s18] =	ssyncset.done $0x0  }
0x120: {  	[sflag:s18] =	ssyncadd.s32 $0xFFFFFFF0  }
0x121: {  	v8 =	vld [tilespmem:$0x18800];
	_ =	sdelay $0x4  }
0x122: {  	v8 =	vnsel vm1, $0x0, v8;
	_ =	sdelay $0x4  }
0x123: {  	v49 =	vld [tilespmem:$0x18880];
	[tilespmem:s19], [sflag:$0x1] =	stream.indirect_vreg.gather [hbm4b:s6+s4], $0x1, v8, vm0, $0xb8  }
0x124: {  	_ = 	snop  }
0x125: {  	[tilespmem:s20], [sflag:$0x1] =	stream.indirect_vreg.gather [hbm4b:s7+s4], $0x1, v8, vm0, $0xb8;
	[tilespmem:$0x18F00] =	vst v63  }
0x126: {  	_ = 	snop  }
0x127: {  	[tilespmem:s21], [sflag:$0x1] =	stream.indirect_vreg.gather [hbm4b:s8+s4], $0x1, v8, vm0, $0xb8;
	[tilespmem:$0x18F00] =	vst v63  }
0x128: {  	_ =	swait.ge [sflag:s18], $0x10  }
0x129: {  	[sflag:s18] =	ssyncset.done $0x0  }
0x12a: {  	[sflag:s18] =	ssyncadd.s32 $0xFFFFFFF0  }
0x12b: {  	_ =	swait.ge [sflag:s18], $0x10  }
0x12c: {  	[sflag:s18] =	ssyncset.done $0x0  }
0x12d: {  	[sflag:s18] =	ssyncadd.s32 $0xFFFFFFF0  }
0x12e: {  	_ =	swait.ge [sflag:s18], $0x10  }
0x12f: {  	[sflag:s18] =	ssyncset.done $0x0  }
0x130: {  	[sflag:s18] =	ssyncadd.s32 $0xFFFFFFF0  }
0x131: {  	v8 =	vld [tilespmem:$0x18B00]  }
0x132: {  	v50 =	vld [tilespmem:$0x18900]  }
0x133: {  	v51 =	vld [tilespmem:$0x18C80]  }
0x134: {  	v52 =	vld [tilespmem:$0x18900]  }
0x135: {  	v53 =	vld [tilespmem:$0x18B80]  }
0x136: {  	v54 =	vld [tilespmem:$0x18980]  }
0x137: {  	v15 =	vld [tilespmem:$0x18D00]  }
0x138: {  	v16 =	vld [tilespmem:$0x18980]  }
0x139: {  	v9 =	vnsel vm1, $0xFFFFFFFF, v49;
	v18 =	vld [tilespmem:$0x18A00]  }
0x13a: {  	vm1 =	veq.s32 v9, v6;
	v56 =	vld [tilespmem:$0x18A00]  }
0x13b: {  	vm2 =	veq.s32 v9, v7;
	v58 =	vld [tilespmem:$0x18D80];
	v55 =	vnsel vm1, $0x0, v50  }
0x13c: {  	v17 =	vld [tilespmem:$0x18C00];
	v57 =	vnsel vm2, $0x0, v52;
	v8 =	vadd.f32 v55, v8  }
0x13d: {  	v60 =	vnsel vm2, $0x0, v16;
	v9 =	vadd.f32 v57, v51  }
0x13e: {  	p0 =	sne.s32 s26, s24;
	v59 =	vnsel vm1, $0x0, v54;
	v61 =	vadd.f32 v60, v15;
	[tilespmem:$0x18B00] =	vst v8  }
.Ltmp6:
0x13f: {  	v10 =	vnsel vm2, $0x0, v56;
	v8 =	vadd.f32 v59, v53;
	[tilespmem:$0x18C80] =	vst v9;
	(pc) =	sbr.rel @p0 .LBB2_6-.Ltmp6, $4  }
.Ltmp7:
0x140: {  	v62 =	vnsel vm1, $0x0, v18;
	v63 =	vadd.f32 v10, v58;
	[tilespmem:$0x18D00] =	vst v61;
	(pc) =	sbr.rel @!p0 .LBB2_9-.Ltmp7, $4  }
0x141: {  	[tilespmem:$0x18B80] =	vst v8;
	v8 =	vadd.f32 v62, v17  }
0x142: {  	[tilespmem:$0x18D80] =	vst v63  }
0x143: {  	[tilespmem:$0x18C00] =	vst v8  }
0x144: {  	_ = 	snop  }
.LBB2_10:
0x145: {  	_ =	sfence.sel $0x180000  }
0x146: {  	[bflag:$0x0] =	sbarrier.arrive $0xFFFF  }
0x147: {  	_ =	strace $0x90000047  }
0x148: {  	[bflag:$0x2] =	sbarrier.arrive $0xFFFF  }
0x149: {  	p0 =	sne.s32 s3, $0x0;
	s0 =	rddreg [dreg:$0x2]  }
0x14a: {  	s0 =	sadd.s32 @!p0 $0x100000, s0  }
0x14b: {  	[sflag:s0] =	ssyncadd.tile.s32 @!p0 $0x1;
	_ =	shalt  }
.Lfunc_end2:
_tile_overlayer_lowered:
.L_overlay_start_2:
0x14c: {  	(tag) =	ssettag $0x2  }
0x14d: {  	s0 =	rddreg [dreg:$0x0];
	s2 =	stileid.u32  }
0x14e: {  	s1 =	rddreg [dreg:$0x1];
	p0 =	sne.s32 s2, $0x0  }
0x14f: {  	s3 =	rddreg [dreg:$0x2];
	[bflag:$0x3] =	sbarrier.arrive $0xFFFF;
	s2 =	simm.s32 @!p0 $0x1C02  }
0x150: {  	[timem:s3], [sflag:s2] =	dma.local @!p0 [hbm:s0], s1  }
0x151: {  	s0 =	simm.s32 @!p0 $0x2  }
0x152: {  	_ =	swait.ge @!p0 [sflag:s0], s1  }
0x153: {  	s1 =	ssub.s32 @!p0 $0x0, s1;
	[sflag:s0] =	ssyncset.done @!p0 $0x0  }
0x154: {  	[sflag:s0] =	ssyncadd.s32 @!p0 s1  }
0x155: {  	[bflag:$0x3] =	sbarrier.arrive $0xFFFF  }
0x156: {  	_ =	shalt  }

</sc_bundles>
